<compile_context>
chip_gen: v7x
topology: tpu7x:2x2x1
jax: 0.10.2.dev20260603
libtpu: 0.0.44.dev20260713+nightly
codegen_flags: <defaults>
</compile_context>

<pallas_src>
import jax
import jax.numpy as jnp
import numpy as np
from jax import lax
from jax.experimental import pallas as pl
from jax.experimental.pallas import tpu as pltpu
from jax.experimental.pallas import tpu_sc as plsc

_NUM_CODE = 8192
_CODE_DIM = 256
_EPS = float(np.finfo(np.float32).eps)

_C_BLK = 1024
_T_BLK = 1024

_NW = 32
_TPW = 256


def _sc_body(emb_hbm, idx_hbm, quant_hbm, counts_hbm,
             idx_v, rows_v, ones_v, zeros_v, counts_sp, sem):
    cid = lax.axis_index("c")
    sid = lax.axis_index("s")
    wid = sid * 2 + cid

    for i in range(32):
        zeros_v[pl.ds(i * 16, 16)] = jnp.zeros((16,), jnp.float32)
    pltpu.sync_copy(zeros_v, counts_sp.at[pl.ds(sid * 512, 512)])
    for i in range(8):
        ones_v[pl.ds(i * 16, 16)] = jnp.full((16,), 1.0, jnp.float32)

    pltpu.sync_copy(idx_hbm.at[pl.ds(wid * 2, 2)], idx_v)

    cp0 = pltpu.async_copy(emb_hbm.at[idx_v.at[0]], rows_v.at[pl.ds(0, 128)], sem)
    cp1 = pltpu.async_copy(emb_hbm.at[idx_v.at[1]], rows_v.at[pl.ds(128, 128)], sem)
    cp0.wait()
    cp1.wait()
    pltpu.sync_copy(rows_v, quant_hbm.at[pl.ds(wid * _TPW, _TPW)])

    plsc.subcore_barrier()
    pltpu.sync_copy(ones_v, counts_sp.at[idx_v.at[0]], add=True)
    pltpu.sync_copy(ones_v, counts_sp.at[idx_v.at[1]], add=True)
    plsc.subcore_barrier()

    @pl.when(sid == 0)
    def _emit():
        pltpu.sync_copy(counts_sp, counts_hbm.at[cid])


def _sc_call(embedding, idx2d):
    return pl.kernel(
        _sc_body,
        out_type=(
            jax.ShapeDtypeStruct((_NW * _TPW, _CODE_DIM), jnp.float32),
            jax.ShapeDtypeStruct((2, _NUM_CODE), jnp.float32),
        ),
        mesh=plsc.VectorSubcoreMesh(
            core_axis_name="c", subcore_axis_name="s",
            num_cores=2, num_subcores=16),
        scratch_types=[
            pltpu.VMEM((2, 128), jnp.int32),
            pltpu.VMEM((_TPW, _CODE_DIM), jnp.float32),
            pltpu.VMEM((128,), jnp.float32),
            pltpu.VMEM((512,), jnp.float32),
            pltpu.VMEM_SHARED((_NUM_CODE,), jnp.float32),
            pltpu.SemaphoreType.DMA,
        ],
    )(embedding, idx2d)


def _perp_body(counts_ref, out_ref):
    p = (counts_ref[0] + counts_ref[1]) * jnp.float32(1.0 / (_NW * _TPW))
    ent = jnp.sum(p * jnp.log(p + _EPS))
    out_ref[...] = jnp.broadcast_to(jnp.exp(-ent), (1, 1))


def _perp_call(counts2):
    return pl.pallas_call(
        _perp_body,
        out_shape=jax.ShapeDtypeStruct((1, 1), jnp.float32),
    )(counts2)


def kernel(input, embedding):
    B, N, T = input.shape
    flat = jnp.transpose(lax.stop_gradient(input), (0, 2, 1)).reshape(B * T, N)
    eu = jnp.sum(flat ** 2, axis=-1, keepdims=True) + jnp.sum(embedding ** 2, axis=-1)[None, :]
    eu = eu - 2.0 * flat @ embedding.T
    indices = jnp.argmin(eu, axis=-1)
    idx2d = indices.reshape(_NW * 2, 128)
    quant_flat, counts2 = _sc_call(embedding, idx2d)
    perp = _perp_call(counts2)
    quantized = jnp.transpose(quant_flat.reshape(B, T, N), (0, 2, 1))
    return quantized, indices.reshape(B, T), perp.reshape(())

# --- scband reference (transcript-rebuilt; emitter-appended) ---
"""Pipeline reference for scband-vqembedding-ema-46926812676247 (READ-ONLY COPY).

The authoritative reference and input builder live on the scoring server;
editing this copy changes nothing except your own understanding.
"""

import jax, jax.numpy as jnp
import numpy as np

NUM_CODE = 8192
CODE_DIM = 256
LAYER = 0
EPS = float(np.finfo(np.float32).eps)


def setup_inputs(seed: int = 0) -> dict:
    key = jax.random.key(seed)
    k1, k2 = jax.random.split(key)
    x = jax.random.normal(k1, (8, CODE_DIM, 1024), dtype=jnp.float32)
    embedding = jax.random.normal(k2, (NUM_CODE, CODE_DIM), dtype=jnp.float32) / ((LAYER + 1) * CODE_DIM)
    return {"input": x, "embedding": embedding}


def reference(input, embedding):
    # Eval-mode forward of VQEmbeddingEMA (EMA buffer updates only occur in training mode)
    B, N, T = input.shape
    x = jax.lax.stop_gradient(input)  # input.detach()
    flat = jnp.transpose(x, (0, 2, 1)).reshape(B * T, N)  # input_detach: (B*T, N)
    eu_dis = jnp.sum(flat ** 2, axis=-1, keepdims=True) + jnp.sum(embedding ** 2, axis=-1)[None, :]
    eu_dis = eu_dis - 2.0 * flat @ embedding.T
    indices = jnp.argmin(eu_dis, axis=-1)
    quantized = jnp.take(embedding, indices, axis=0)  # gather over codebook rows
    quantized = jnp.transpose(quantized.reshape(B, T, N), (0, 2, 1))
    encodings = jax.nn.one_hot(indices, NUM_CODE, dtype=jnp.float32)
    avg_probs = jnp.mean(encodings, axis=0)
    perplexity = jnp.exp(-jnp.sum(avg_probs * jnp.log(avg_probs + EPS), axis=-1))
    perplexity = jnp.mean(perplexity)
    indices_out = indices.reshape(B, T)
    return (quantized, indices_out, perplexity)

if __name__ == "__main__":
    import jax
    _d = setup_inputs()
    print(jax.jit(kernel)(*tuple(_d.values())))

</pallas_src>

<mosaic_0001>
#map = affine_map<(d0, d1) -> (0, 0)>
module attributes {stable_mosaic.version = 14 : i64} {
  func.func @_sc_body(%arg0: i32, %arg1: i32, %arg2: memref<8192x256xf32, #tpu.memory_space<hbm>>, %arg3: memref<64x128xi32, #tpu.memory_space<hbm>>, %arg4: memref<8192x256xf32, #tpu.memory_space<hbm>>, %arg5: memref<2x8192xf32, #tpu.memory_space<hbm>>, %arg6: memref<2x128xi32, #tpu.memory_space<vmem>>, %arg7: memref<256x256xf32, #tpu.memory_space<vmem>>, %arg8: memref<128xf32, #tpu.memory_space<vmem>>, %arg9: memref<512xf32, #tpu.memory_space<vmem>>, %arg10: memref<8192xf32, #tpu.memory_space<vmem_shared>>, %arg11: memref<!tpu.dma_semaphore, #tpu.memory_space<semaphore_mem>>) attributes {dimension_semantics = [#tpu.dimension_semantics<core_parallel>, #tpu.dimension_semantics<subcore_parallel>], iteration_bounds = array<i64: 2, 16>, scalar_prefetch = 0 : i64, scratch_operands = 6 : i64, tpu.core_type = #tpu.core_type<sc_vector_subcore>, window_params = [{transform_indices = #map}, {transform_indices = #map}, {transform_indices = #map}, {transform_indices = #map}]} {
    %mul3A = arith.constant 2 : i32
    %mul3A_0 = arith.muli %arg1, %mul3A : i32
    %add3A = arith.addi %mul3A_0, %arg0 : i32
    %broadcast_in_dim3A = arith.constant 0.000000e+00 : f32
    %broadcast_in_dim3A_1 = vector.broadcast %broadcast_in_dim3A : f32 to vector<16xf32>
    %swap3A = arith.constant 0 : index
    %swap3A_2 = tpu.vector_load %arg9[%swap3A] {strides = array<i32>} : memref<512xf32, #tpu.memory_space<vmem>>, vector<16xf32>,
    %swap3A_3 = vector.shape_cast %swap3A_2 : vector<16xf32> to vector<16xf32>
    %swap3A_4 = vector.shape_cast %broadcast_in_dim3A_1 : vector<16xf32> to vector<16xf32>
    tpu.vector_store %arg9[%swap3A], %swap3A_4 {strides = array<i32>} : memref<512xf32, #tpu.memory_space<vmem>>, vector<16xf32>,
    %broadcast_in_dim3A_5 = arith.constant 0.000000e+00 : f32
    %broadcast_in_dim3A_6 = vector.broadcast %broadcast_in_dim3A_5 : f32 to vector<16xf32>
    %swap3A_7 = arith.constant 16 : index
    %swap3A_8 = tpu.vector_load %arg9[%swap3A_7] {strides = array<i32>} : memref<512xf32, #tpu.memory_space<vmem>>, vector<16xf32>,
    %swap3A_9 = vector.shape_cast %swap3A_8 : vector<16xf32> to vector<16xf32>
    %swap3A_10 = vector.shape_cast %broadcast_in_dim3A_6 : vector<16xf32> to vector<16xf32>
    tpu.vector_store %arg9[%swap3A_7], %swap3A_10 {strides = array<i32>} : memref<512xf32, #tpu.memory_space<vmem>>, vector<16xf32>,
    %broadcast_in_dim3A_11 = arith.constant 0.000000e+00 : f32
    %broadcast_in_dim3A_12 = vector.broadcast %broadcast_in_dim3A_11 : f32 to vector<16xf32>
    %swap3A_13 = arith.constant 32 : index
    %swap3A_14 = tpu.vector_load %arg9[%swap3A_13] {strides = array<i32>} : memref<512xf32, #tpu.memory_space<vmem>>, vector<16xf32>,
    %swap3A_15 = vector.shape_cast %swap3A_14 : vector<16xf32> to vector<16xf32>
    %swap3A_16 = vector.shape_cast %broadcast_in_dim3A_12 : vector<16xf32> to vector<16xf32>
    tpu.vector_store %arg9[%swap3A_13], %swap3A_16 {strides = array<i32>} : memref<512xf32, #tpu.memory_space<vmem>>, vector<16xf32>,
    %broadcast_in_dim3A_17 = arith.constant 0.000000e+00 : f32
    %broadcast_in_dim3A_18 = vector.broadcast %broadcast_in_dim3A_17 : f32 to vector<16xf32>
    %swap3A_19 = arith.constant 48 : index
    %swap3A_20 = tpu.vector_load %arg9[%swap3A_19] {strides = array<i32>} : memref<512xf32, #tpu.memory_space<vmem>>, vector<16xf32>,
    %swap3A_21 = vector.shape_cast %swap3A_20 : vector<16xf32> to vector<16xf32>
    %swap3A_22 = vector.shape_cast %broadcast_in_dim3A_18 : vector<16xf32> to vector<16xf32>
    tpu.vector_store %arg9[%swap3A_19], %swap3A_22 {strides = array<i32>} : memref<512xf32, #tpu.memory_space<vmem>>, vector<16xf32>,
    %broadcast_in_dim3A_23 = arith.constant 0.000000e+00 : f32
    %broadcast_in_dim3A_24 = vector.broadcast %broadcast_in_dim3A_23 : f32 to vector<16xf32>
    %swap3A_25 = arith.constant 64 : index
    %swap3A_26 = tpu.vector_load %arg9[%swap3A_25] {strides = array<i32>} : memref<512xf32, #tpu.memory_space<vmem>>, vector<16xf32>,
    %swap3A_27 = vector.shape_cast %swap3A_26 : vector<16xf32> to vector<16xf32>
    %swap3A_28 = vector.shape_cast %broadcast_in_dim3A_24 : vector<16xf32> to vector<16xf32>
    tpu.vector_store %arg9[%swap3A_25], %swap3A_28 {strides = array<i32>} : memref<512xf32, #tpu.memory_space<vmem>>, vector<16xf32>,
    %broadcast_in_dim3A_29 = arith.constant 0.000000e+00 : f32
    %broadcast_in_dim3A_30 = vector.broadcast %broadcast_in_dim3A_29 : f32 to vector<16xf32>
    %swap3A_31 = arith.constant 80 : index
    %swap3A_32 = tpu.vector_load %arg9[%swap3A_31] {strides = array<i32>} : memref<512xf32, #tpu.memory_space<vmem>>, vector<16xf32>,
    %swap3A_33 = vector.shape_cast %swap3A_32 : vector<16xf32> to vector<16xf32>
    %swap3A_34 = vector.shape_cast %broadcast_in_dim3A_30 : vector<16xf32> to vector<16xf32>
    tpu.vector_store %arg9[%swap3A_31], %swap3A_34 {strides = array<i32>} : memref<512xf32, #tpu.memory_space<vmem>>, vector<16xf32>,
    %broadcast_in_dim3A_35 = arith.constant 0.000000e+00 : f32
    %broadcast_in_dim3A_36 = vector.broadcast %broadcast_in_dim3A_35 : f32 to vector<16xf32>
    %swap3A_37 = arith.constant 96 : index
    %swap3A_38 = tpu.vector_load %arg9[%swap3A_37] {strides = array<i32>} : memref<512xf32, #tpu.memory_space<vmem>>, vector<16xf32>,
    %swap3A_39 = vector.shape_cast %swap3A_38 : vector<16xf32> to vector<16xf32>
    %swap3A_40 = vector.shape_cast %broadcast_in_dim3A_36 : vector<16xf32> to vector<16xf32>
    tpu.vector_store %arg9[%swap3A_37], %swap3A_40 {strides = array<i32>} : memref<512xf32, #tpu.memory_space<vmem>>, vector<16xf32>,
    %broadcast_in_dim3A_41 = arith.constant 0.000000e+00 : f32
    %broadcast_in_dim3A_42 = vector.broadcast %broadcast_in_dim3A_41 : f32 to vector<16xf32>
    %swap3A_43 = arith.constant 112 : index
    %swap3A_44 = tpu.vector_load %arg9[%swap3A_43] {strides = array<i32>} : memref<512xf32, #tpu.memory_space<vmem>>, vector<16xf32>,
    %swap3A_45 = vector.shape_cast %swap3A_44 : vector<16xf32> to vector<16xf32>
    %swap3A_46 = vector.shape_cast %broadcast_in_dim3A_42 : vector<16xf32> to vector<16xf32>
    tpu.vector_store %arg9[%swap3A_43], %swap3A_46 {strides = array<i32>} : memref<512xf32, #tpu.memory_space<vmem>>, vector<16xf32>,
    %broadcast_in_dim3A_47 = arith.constant 0.000000e+00 : f32
    %broadcast_in_dim3A_48 = vector.broadcast %broadcast_in_dim3A_47 : f32 to vector<16xf32>
    %swap3A_49 = arith.constant 128 : index
    %swap3A_50 = tpu.vector_load %arg9[%swap3A_49] {strides = array<i32>} : memref<512xf32, #tpu.memory_space<vmem>>, vector<16xf32>,
    %swap3A_51 = vector.shape_cast %swap3A_50 : vector<16xf32> to vector<16xf32>
    %swap3A_52 = vector.shape_cast %broadcast_in_dim3A_48 : vector<16xf32> to vector<16xf32>
    tpu.vector_store %arg9[%swap3A_49], %swap3A_52 {strides = array<i32>} : memref<512xf32, #tpu.memory_space<vmem>>, vector<16xf32>,
    %broadcast_in_dim3A_53 = arith.constant 0.000000e+00 : f32
    %broadcast_in_dim3A_54 = vector.broadcast %broadcast_in_dim3A_53 : f32 to vector<16xf32>
    %swap3A_55 = arith.constant 144 : index
    %swap3A_56 = tpu.vector_load %arg9[%swap3A_55] {strides = array<i32>} : memref<512xf32, #tpu.memory_space<vmem>>, vector<16xf32>,
    %swap3A_57 = vector.shape_cast %swap3A_56 : vector<16xf32> to vector<16xf32>
    %swap3A_58 = vector.shape_cast %broadcast_in_dim3A_54 : vector<16xf32> to vector<16xf32>
    tpu.vector_store %arg9[%swap3A_55], %swap3A_58 {strides = array<i32>} : memref<512xf32, #tpu.memory_space<vmem>>, vector<16xf32>,
    %broadcast_in_dim3A_59 = arith.constant 0.000000e+00 : f32
    %broadcast_in_dim3A_60 = vector.broadcast %broadcast_in_dim3A_59 : f32 to vector<16xf32>
    %swap3A_61 = arith.constant 160 : index
    %swap3A_62 = tpu.vector_load %arg9[%swap3A_61] {strides = array<i32>} : memref<512xf32, #tpu.memory_space<vmem>>, vector<16xf32>,
    %swap3A_63 = vector.shape_cast %swap3A_62 : vector<16xf32> to vector<16xf32>
    %swap3A_64 = vector.shape_cast %broadcast_in_dim3A_60 : vector<16xf32> to vector<16xf32>
    tpu.vector_store %arg9[%swap3A_61], %swap3A_64 {strides = array<i32>} : memref<512xf32, #tpu.memory_space<vmem>>, vector<16xf32>,
    %broadcast_in_dim3A_65 = arith.constant 0.000000e+00 : f32
    %broadcast_in_dim3A_66 = vector.broadcast %broadcast_in_dim3A_65 : f32 to vector<16xf32>
    %swap3A_67 = arith.constant 176 : index
    %swap3A_68 = tpu.vector_load %arg9[%swap3A_67] {strides = array<i32>} : memref<512xf32, #tpu.memory_space<vmem>>, vector<16xf32>,
    %swap3A_69 = vector.shape_cast %swap3A_68 : vector<16xf32> to vector<16xf32>
    %swap3A_70 = vector.shape_cast %broadcast_in_dim3A_66 : vector<16xf32> to vector<16xf32>
    tpu.vector_store %arg9[%swap3A_67], %swap3A_70 {strides = array<i32>} : memref<512xf32, #tpu.memory_space<vmem>>, vector<16xf32>,
    %broadcast_in_dim3A_71 = arith.constant 0.000000e+00 : f32
    %broadcast_in_dim3A_72 = vector.broadcast %broadcast_in_dim3A_71 : f32 to vector<16xf32>
    %swap3A_73 = arith.constant 192 : index
    %swap3A_74 = tpu.vector_load %arg9[%swap3A_73] {strides = array<i32>} : memref<512xf32, #tpu.memory_space<vmem>>, vector<16xf32>,
    %swap3A_75 = vector.shape_cast %swap3A_74 : vector<16xf32> to vector<16xf32>
    %swap3A_76 = vector.shape_cast %broadcast_in_dim3A_72 : vector<16xf32> to vector<16xf32>
    tpu.vector_store %arg9[%swap3A_73], %swap3A_76 {strides = array<i32>} : memref<512xf32, #tpu.memory_space<vmem>>, vector<16xf32>,
    %broadcast_in_dim3A_77 = arith.constant 0.000000e+00 : f32
    %broadcast_in_dim3A_78 = vector.broadcast %broadcast_in_dim3A_77 : f32 to vector<16xf32>
    %swap3A_79 = arith.constant 208 : index
    %swap3A_80 = tpu.vector_load %arg9[%swap3A_79] {strides = array<i32>} : memref<512xf32, #tpu.memory_space<vmem>>, vector<16xf32>,
    %swap3A_81 = vector.shape_cast %swap3A_80 : vector<16xf32> to vector<16xf32>
    %swap3A_82 = vector.shape_cast %broadcast_in_dim3A_78 : vector<16xf32> to vector<16xf32>
    tpu.vector_store %arg9[%swap3A_79], %swap3A_82 {strides = array<i32>} : memref<512xf32, #tpu.memory_space<vmem>>, vector<16xf32>,
    %broadcast_in_dim3A_83 = arith.constant 0.000000e+00 : f32
    %broadcast_in_dim3A_84 = vector.broadcast %broadcast_in_dim3A_83 : f32 to vector<16xf32>
    %swap3A_85 = arith.constant 224 : index
    %swap3A_86 = tpu.vector_load %arg9[%swap3A_85] {strides = array<i32>} : memref<512xf32, #tpu.memory_space<vmem>>, vector<16xf32>,
    %swap3A_87 = vector.shape_cast %swap3A_86 : vector<16xf32> to vector<16xf32>
    %swap3A_88 = vector.shape_cast %broadcast_in_dim3A_84 : vector<16xf32> to vector<16xf32>
    tpu.vector_store %arg9[%swap3A_85], %swap3A_88 {strides = array<i32>} : memref<512xf32, #tpu.memory_space<vmem>>, vector<16xf32>,
    %broadcast_in_dim3A_89 = arith.constant 0.000000e+00 : f32
    %broadcast_in_dim3A_90 = vector.broadcast %broadcast_in_dim3A_89 : f32 to vector<16xf32>
    %swap3A_91 = arith.constant 240 : index
    %swap3A_92 = tpu.vector_load %arg9[%swap3A_91] {strides = array<i32>} : memref<512xf32, #tpu.memory_space<vmem>>, vector<16xf32>,
    %swap3A_93 = vector.shape_cast %swap3A_92 : vector<16xf32> to vector<16xf32>
    %swap3A_94 = vector.shape_cast %broadcast_in_dim3A_90 : vector<16xf32> to vector<16xf32>
    tpu.vector_store %arg9[%swap3A_91], %swap3A_94 {strides = array<i32>} : memref<512xf32, #tpu.memory_space<vmem>>, vector<16xf32>,
    %broadcast_in_dim3A_95 = arith.constant 0.000000e+00 : f32
    %broadcast_in_dim3A_96 = vector.broadcast %broadcast_in_dim3A_95 : f32 to vector<16xf32>
    %swap3A_97 = arith.constant 256 : index
    %swap3A_98 = tpu.vector_load %arg9[%swap3A_97] {strides = array<i32>} : memref<512xf32, #tpu.memory_space<vmem>>, vector<16xf32>,
    %swap3A_99 = vector.shape_cast %swap3A_98 : vector<16xf32> to vector<16xf32>
    %swap3A_100 = vector.shape_cast %broadcast_in_dim3A_96 : vector<16xf32> to vector<16xf32>
    tpu.vector_store %arg9[%swap3A_97], %swap3A_100 {strides = array<i32>} : memref<512xf32, #tpu.memory_space<vmem>>, vector<16xf32>,
    %broadcast_in_dim3A_101 = arith.constant 0.000000e+00 : f32
    %broadcast_in_dim3A_102 = vector.broadcast %broadcast_in_dim3A_101 : f32 to vector<16xf32>
    %swap3A_103 = arith.constant 272 : index
    %swap3A_104 = tpu.vector_load %arg9[%swap3A_103] {strides = array<i32>} : memref<512xf32, #tpu.memory_space<vmem>>, vector<16xf32>,
    %swap3A_105 = vector.shape_cast %swap3A_104 : vector<16xf32> to vector<16xf32>
    %swap3A_106 = vector.shape_cast %broadcast_in_dim3A_102 : vector<16xf32> to vector<16xf32>
    tpu.vector_store %arg9[%swap3A_103], %swap3A_106 {strides = array<i32>} : memref<512xf32, #tpu.memory_space<vmem>>, vector<16xf32>,
    %broadcast_in_dim3A_107 = arith.constant 0.000000e+00 : f32
    %broadcast_in_dim3A_108 = vector.broadcast %broadcast_in_dim3A_107 : f32 to vector<16xf32>
    %swap3A_109 = arith.constant 288 : index
    %swap3A_110 = tpu.vector_load %arg9[%swap3A_109] {strides = array<i32>} : memref<512xf32, #tpu.memory_space<vmem>>, vector<16xf32>,
    %swap3A_111 = vector.shape_cast %swap3A_110 : vector<16xf32> to vector<16xf32>
    %swap3A_112 = vector.shape_cast %broadcast_in_dim3A_108 : vector<16xf32> to vector<16xf32>
    tpu.vector_store %arg9[%swap3A_109], %swap3A_112 {strides = array<i32>} : memref<512xf32, #tpu.memory_space<vmem>>, vector<16xf32>,
    %broadcast_in_dim3A_113 = arith.constant 0.000000e+00 : f32
    %broadcast_in_dim3A_114 = vector.broadcast %broadcast_in_dim3A_113 : f32 to vector<16xf32>
    %swap3A_115 = arith.constant 304 : index
    %swap3A_116 = tpu.vector_load %arg9[%swap3A_115] {strides = array<i32>} : memref<512xf32, #tpu.memory_space<vmem>>, vector<16xf32>,
    %swap3A_117 = vector.shape_cast %swap3A_116 : vector<16xf32> to vector<16xf32>
    %swap3A_118 = vector.shape_cast %broadcast_in_dim3A_114 : vector<16xf32> to vector<16xf32>
    tpu.vector_store %arg9[%swap3A_115], %swap3A_118 {strides = array<i32>} : memref<512xf32, #tpu.memory_space<vmem>>, vector<16xf32>,
    %broadcast_in_dim3A_119 = arith.constant 0.000000e+00 : f32
    %broadcast_in_dim3A_120 = vector.broadcast %broadcast_in_dim3A_119 : f32 to vector<16xf32>
    %swap3A_121 = arith.constant 320 : index
    %swap3A_122 = tpu.vector_load %arg9[%swap3A_121] {strides = array<i32>} : memref<512xf32, #tpu.memory_space<vmem>>, vector<16xf32>,
    %swap3A_123 = vector.shape_cast %swap3A_122 : vector<16xf32> to vector<16xf32>
    %swap3A_124 = vector.shape_cast %broadcast_in_dim3A_120 : vector<16xf32> to vector<16xf32>
    tpu.vector_store %arg9[%swap3A_121], %swap3A_124 {strides = array<i32>} : memref<512xf32, #tpu.memory_space<vmem>>, vector<16xf32>,
    %broadcast_in_dim3A_125 = arith.constant 0.000000e+00 : f32
    %broadcast_in_dim3A_126 = vector.broadcast %broadcast_in_dim3A_125 : f32 to vector<16xf32>
    %swap3A_127 = arith.constant 336 : index
    %swap3A_128 = tpu.vector_load %arg9[%swap3A_127] {strides = array<i32>} : memref<512xf32, #tpu.memory_space<vmem>>, vector<16xf32>,
    %swap3A_129 = vector.shape_cast %swap3A_128 : vector<16xf32> to vector<16xf32>
    %swap3A_130 = vector.shape_cast %broadcast_in_dim3A_126 : vector<16xf32> to vector<16xf32>
    tpu.vector_store %arg9[%swap3A_127], %swap3A_130 {strides = array<i32>} : memref<512xf32, #tpu.memory_space<vmem>>, vector<16xf32>,
    %broadcast_in_dim3A_131 = arith.constant 0.000000e+00 : f32
    %broadcast_in_dim3A_132 = vector.broadcast %broadcast_in_dim3A_131 : f32 to vector<16xf32>
    %swap3A_133 = arith.constant 352 : index
    %swap3A_134 = tpu.vector_load %arg9[%swap3A_133] {strides = array<i32>} : memref<512xf32, #tpu.memory_space<vmem>>, vector<16xf32>,
    %swap3A_135 = vector.shape_cast %swap3A_134 : vector<16xf32> to vector<16xf32>
    %swap3A_136 = vector.shape_cast %broadcast_in_dim3A_132 : vector<16xf32> to vector<16xf32>
    tpu.vector_store %arg9[%swap3A_133], %swap3A_136 {strides = array<i32>} : memref<512xf32, #tpu.memory_space<vmem>>, vector<16xf32>,
    %broadcast_in_dim3A_137 = arith.constant 0.000000e+00 : f32
    %broadcast_in_dim3A_138 = vector.broadcast %broadcast_in_dim3A_137 : f32 to vector<16xf32>
    %swap3A_139 = arith.constant 368 : index
    %swap3A_140 = tpu.vector_load %arg9[%swap3A_139] {strides = array<i32>} : memref<512xf32, #tpu.memory_space<vmem>>, vector<16xf32>,
    %swap3A_141 = vector.shape_cast %swap3A_140 : vector<16xf32> to vector<16xf32>
    %swap3A_142 = vector.shape_cast %broadcast_in_dim3A_138 : vector<16xf32> to vector<16xf32>
    tpu.vector_store %arg9[%swap3A_139], %swap3A_142 {strides = array<i32>} : memref<512xf32, #tpu.memory_space<vmem>>, vector<16xf32>,
    %broadcast_in_dim3A_143 = arith.constant 0.000000e+00 : f32
    %broadcast_in_dim3A_144 = vector.broadcast %broadcast_in_dim3A_143 : f32 to vector<16xf32>
    %swap3A_145 = arith.constant 384 : index
    %swap3A_146 = tpu.vector_load %arg9[%swap3A_145] {strides = array<i32>} : memref<512xf32, #tpu.memory_space<vmem>>, vector<16xf32>,
    %swap3A_147 = vector.shape_cast %swap3A_146 : vector<16xf32> to vector<16xf32>
    %swap3A_148 = vector.shape_cast %broadcast_in_dim3A_144 : vector<16xf32> to vector<16xf32>
    tpu.vector_store %arg9[%swap3A_145], %swap3A_148 {strides = array<i32>} : memref<512xf32, #tpu.memory_space<vmem>>, vector<16xf32>,
    %broadcast_in_dim3A_149 = arith.constant 0.000000e+00 : f32
    %broadcast_in_dim3A_150 = vector.broadcast %broadcast_in_dim3A_149 : f32 to vector<16xf32>
    %swap3A_151 = arith.constant 400 : index
    %swap3A_152 = tpu.vector_load %arg9[%swap3A_151] {strides = array<i32>} : memref<512xf32, #tpu.memory_space<vmem>>, vector<16xf32>,
    %swap3A_153 = vector.shape_cast %swap3A_152 : vector<16xf32> to vector<16xf32>
    %swap3A_154 = vector.shape_cast %broadcast_in_dim3A_150 : vector<16xf32> to vector<16xf32>
    tpu.vector_store %arg9[%swap3A_151], %swap3A_154 {strides = array<i32>} : memref<512xf32, #tpu.memory_space<vmem>>, vector<16xf32>,
    %broadcast_in_dim3A_155 = arith.constant 0.000000e+00 : f32
    %broadcast_in_dim3A_156 = vector.broadcast %broadcast_in_dim3A_155 : f32 to vector<16xf32>
    %swap3A_157 = arith.constant 416 : index
    %swap3A_158 = tpu.vector_load %arg9[%swap3A_157] {strides = array<i32>} : memref<512xf32, #tpu.memory_space<vmem>>, vector<16xf32>,
    %swap3A_159 = vector.shape_cast %swap3A_158 : vector<16xf32> to vector<16xf32>
    %swap3A_160 = vector.shape_cast %broadcast_in_dim3A_156 : vector<16xf32> to vector<16xf32>
    tpu.vector_store %arg9[%swap3A_157], %swap3A_160 {strides = array<i32>} : memref<512xf32, #tpu.memory_space<vmem>>, vector<16xf32>,
    %broadcast_in_dim3A_161 = arith.constant 0.000000e+00 : f32
    %broadcast_in_dim3A_162 = vector.broadcast %broadcast_in_dim3A_161 : f32 to vector<16xf32>
    %swap3A_163 = arith.constant 432 : index
    %swap3A_164 = tpu.vector_load %arg9[%swap3A_163] {strides = array<i32>} : memref<512xf32, #tpu.memory_space<vmem>>, vector<16xf32>,
    %swap3A_165 = vector.shape_cast %swap3A_164 : vector<16xf32> to vector<16xf32>
    %swap3A_166 = vector.shape_cast %broadcast_in_dim3A_162 : vector<16xf32> to vector<16xf32>
    tpu.vector_store %arg9[%swap3A_163], %swap3A_166 {strides = array<i32>} : memref<512xf32, #tpu.memory_space<vmem>>, vector<16xf32>,
    %broadcast_in_dim3A_167 = arith.constant 0.000000e+00 : f32
    %broadcast_in_dim3A_168 = vector.broadcast %broadcast_in_dim3A_167 : f32 to vector<16xf32>
    %swap3A_169 = arith.constant 448 : index
    %swap3A_170 = tpu.vector_load %arg9[%swap3A_169] {strides = array<i32>} : memref<512xf32, #tpu.memory_space<vmem>>, vector<16xf32>,
    %swap3A_171 = vector.shape_cast %swap3A_170 : vector<16xf32> to vector<16xf32>
    %swap3A_172 = vector.shape_cast %broadcast_in_dim3A_168 : vector<16xf32> to vector<16xf32>
    tpu.vector_store %arg9[%swap3A_169], %swap3A_172 {strides = array<i32>} : memref<512xf32, #tpu.memory_space<vmem>>, vector<16xf32>,
    %broadcast_in_dim3A_173 = arith.constant 0.000000e+00 : f32
    %broadcast_in_dim3A_174 = vector.broadcast %broadcast_in_dim3A_173 : f32 to vector<16xf32>
    %swap3A_175 = arith.constant 464 : index
    %swap3A_176 = tpu.vector_load %arg9[%swap3A_175] {strides = array<i32>} : memref<512xf32, #tpu.memory_space<vmem>>, vector<16xf32>,
    %swap3A_177 = vector.shape_cast %swap3A_176 : vector<16xf32> to vector<16xf32>
    %swap3A_178 = vector.shape_cast %broadcast_in_dim3A_174 : vector<16xf32> to vector<16xf32>
    tpu.vector_store %arg9[%swap3A_175], %swap3A_178 {strides = array<i32>} : memref<512xf32, #tpu.memory_space<vmem>>, vector<16xf32>,
    %broadcast_in_dim3A_179 = arith.constant 0.000000e+00 : f32
    %broadcast_in_dim3A_180 = vector.broadcast %broadcast_in_dim3A_179 : f32 to vector<16xf32>
    %swap3A_181 = arith.constant 480 : index
    %swap3A_182 = tpu.vector_load %arg9[%swap3A_181] {strides = array<i32>} : memref<512xf32, #tpu.memory_space<vmem>>, vector<16xf32>,
    %swap3A_183 = vector.shape_cast %swap3A_182 : vector<16xf32> to vector<16xf32>
    %swap3A_184 = vector.shape_cast %broadcast_in_dim3A_180 : vector<16xf32> to vector<16xf32>
    tpu.vector_store %arg9[%swap3A_181], %swap3A_184 {strides = array<i32>} : memref<512xf32, #tpu.memory_space<vmem>>, vector<16xf32>,
    %broadcast_in_dim3A_185 = arith.constant 0.000000e+00 : f32
    %broadcast_in_dim3A_186 = vector.broadcast %broadcast_in_dim3A_185 : f32 to vector<16xf32>
    %swap3A_187 = arith.constant 496 : index
    %swap3A_188 = tpu.vector_load %arg9[%swap3A_187] {strides = array<i32>} : memref<512xf32, #tpu.memory_space<vmem>>, vector<16xf32>,
    %swap3A_189 = vector.shape_cast %swap3A_188 : vector<16xf32> to vector<16xf32>
    %swap3A_190 = vector.shape_cast %broadcast_in_dim3A_186 : vector<16xf32> to vector<16xf32>
    tpu.vector_store %arg9[%swap3A_187], %swap3A_190 {strides = array<i32>} : memref<512xf32, #tpu.memory_space<vmem>>, vector<16xf32>,
    %mul3A_191 = arith.constant 512 : i32
    %mul3A_192 = arith.muli %arg1, %mul3A_191 : i32
    "tpu.region"() ({
      %run_scoped3A_287 = tpu.sem_alloc : memref<!tpu.dma_semaphore, #tpu.memory_space<semaphore_mem>>
      %dma_start3A_288 = tpu.memref_slice %arg10[%mul3A_192] : memref<8192xf32, #tpu.memory_space<vmem_shared>> -> memref<512xf32, #tpu.memory_space<vmem_shared>>
      %dma_start3A_289 = tpu.memref_slice %arg10[%mul3A_192] : memref<8192xf32, #tpu.memory_space<vmem_shared>> -> memref<512xf32, #tpu.memory_space<vmem_shared>>
      tpu.enqueue_dma source(%arg9 : memref<512xf32, #tpu.memory_space<vmem>>) target(%dma_start3A_289 : memref<512xf32, #tpu.memory_space<vmem_shared>>) target_semaphore(%run_scoped3A_287 : memref<!tpu.dma_semaphore, #tpu.memory_space<semaphore_mem>>)
      %dma_wait3A_290 = tpu.memref_slice %arg10[%mul3A_192] : memref<8192xf32, #tpu.memory_space<vmem_shared>> -> memref<512xf32, #tpu.memory_space<vmem_shared>>
      %dma_wait3A_291 = tpu.memref_slice %arg10[%mul3A_192] : memref<8192xf32, #tpu.memory_space<vmem_shared>> -> memref<512xf32, #tpu.memory_space<vmem_shared>>
      tpu.wait_dma2 semaphore(%run_scoped3A_287 : memref<!tpu.dma_semaphore, #tpu.memory_space<semaphore_mem>>) src(%arg9 : memref<512xf32, #tpu.memory_space<vmem>>) dst(%dma_wait3A_291 : memref<512xf32, #tpu.memory_space<vmem_shared>>)
      tpu.yield
    }) : () -> ()
    %broadcast_in_dim3A_193 = arith.constant 1.000000e+00 : f32
    %broadcast_in_dim3A_194 = vector.broadcast %broadcast_in_dim3A_193 : f32 to vector<16xf32>
    %swap3A_195 = arith.constant 0 : index
    %swap3A_196 = tpu.vector_load %arg8[%swap3A_195] {strides = array<i32>} : memref<128xf32, #tpu.memory_space<vmem>>, vector<16xf32>,
    %swap3A_197 = vector.shape_cast %swap3A_196 : vector<16xf32> to vector<16xf32>
    %swap3A_198 = vector.shape_cast %broadcast_in_dim3A_194 : vector<16xf32> to vector<16xf32>
    tpu.vector_store %arg8[%swap3A_195], %swap3A_198 {strides = array<i32>} : memref<128xf32, #tpu.memory_space<vmem>>, vector<16xf32>,
    %broadcast_in_dim3A_199 = arith.constant 1.000000e+00 : f32
    %broadcast_in_dim3A_200 = vector.broadcast %broadcast_in_dim3A_199 : f32 to vector<16xf32>
    %swap3A_201 = arith.constant 16 : index
    %swap3A_202 = tpu.vector_load %arg8[%swap3A_201] {strides = array<i32>} : memref<128xf32, #tpu.memory_space<vmem>>, vector<16xf32>,
    %swap3A_203 = vector.shape_cast %swap3A_202 : vector<16xf32> to vector<16xf32>
    %swap3A_204 = vector.shape_cast %broadcast_in_dim3A_200 : vector<16xf32> to vector<16xf32>
    tpu.vector_store %arg8[%swap3A_201], %swap3A_204 {strides = array<i32>} : memref<128xf32, #tpu.memory_space<vmem>>, vector<16xf32>,
    %broadcast_in_dim3A_205 = arith.constant 1.000000e+00 : f32
    %broadcast_in_dim3A_206 = vector.broadcast %broadcast_in_dim3A_205 : f32 to vector<16xf32>
    %swap3A_207 = arith.constant 32 : index
    %swap3A_208 = tpu.vector_load %arg8[%swap3A_207] {strides = array<i32>} : memref<128xf32, #tpu.memory_space<vmem>>, vector<16xf32>,
    %swap3A_209 = vector.shape_cast %swap3A_208 : vector<16xf32> to vector<16xf32>
    %swap3A_210 = vector.shape_cast %broadcast_in_dim3A_206 : vector<16xf32> to vector<16xf32>
    tpu.vector_store %arg8[%swap3A_207], %swap3A_210 {strides = array<i32>} : memref<128xf32, #tpu.memory_space<vmem>>, vector<16xf32>,
    %broadcast_in_dim3A_211 = arith.constant 1.000000e+00 : f32
    %broadcast_in_dim3A_212 = vector.broadcast %broadcast_in_dim3A_211 : f32 to vector<16xf32>
    %swap3A_213 = arith.constant 48 : index
    %swap3A_214 = tpu.vector_load %arg8[%swap3A_213] {strides = array<i32>} : memref<128xf32, #tpu.memory_space<vmem>>, vector<16xf32>,
    %swap3A_215 = vector.shape_cast %swap3A_214 : vector<16xf32> to vector<16xf32>
    %swap3A_216 = vector.shape_cast %broadcast_in_dim3A_212 : vector<16xf32> to vector<16xf32>
    tpu.vector_store %arg8[%swap3A_213], %swap3A_216 {strides = array<i32>} : memref<128xf32, #tpu.memory_space<vmem>>, vector<16xf32>,
    %broadcast_in_dim3A_217 = arith.constant 1.000000e+00 : f32
    %broadcast_in_dim3A_218 = vector.broadcast %broadcast_in_dim3A_217 : f32 to vector<16xf32>
    %swap3A_219 = arith.constant 64 : index
    %swap3A_220 = tpu.vector_load %arg8[%swap3A_219] {strides = array<i32>} : memref<128xf32, #tpu.memory_space<vmem>>, vector<16xf32>,
    %swap3A_221 = vector.shape_cast %swap3A_220 : vector<16xf32> to vector<16xf32>
    %swap3A_222 = vector.shape_cast %broadcast_in_dim3A_218 : vector<16xf32> to vector<16xf32>
    tpu.vector_store %arg8[%swap3A_219], %swap3A_222 {strides = array<i32>} : memref<128xf32, #tpu.memory_space<vmem>>, vector<16xf32>,
    %broadcast_in_dim3A_223 = arith.constant 1.000000e+00 : f32
    %broadcast_in_dim3A_224 = vector.broadcast %broadcast_in_dim3A_223 : f32 to vector<16xf32>
    %swap3A_225 = arith.constant 80 : index
    %swap3A_226 = tpu.vector_load %arg8[%swap3A_225] {strides = array<i32>} : memref<128xf32, #tpu.memory_space<vmem>>, vector<16xf32>,
    %swap3A_227 = vector.shape_cast %swap3A_226 : vector<16xf32> to vector<16xf32>
    %swap3A_228 = vector.shape_cast %broadcast_in_dim3A_224 : vector<16xf32> to vector<16xf32>
    tpu.vector_store %arg8[%swap3A_225], %swap3A_228 {strides = array<i32>} : memref<128xf32, #tpu.memory_space<vmem>>, vector<16xf32>,
    %broadcast_in_dim3A_229 = arith.constant 1.000000e+00 : f32
    %broadcast_in_dim3A_230 = vector.broadcast %broadcast_in_dim3A_229 : f32 to vector<16xf32>
    %swap3A_231 = arith.constant 96 : index
    %swap3A_232 = tpu.vector_load %arg8[%swap3A_231] {strides = array<i32>} : memref<128xf32, #tpu.memory_space<vmem>>, vector<16xf32>,
    %swap3A_233 = vector.shape_cast %swap3A_232 : vector<16xf32> to vector<16xf32>
    %swap3A_234 = vector.shape_cast %broadcast_in_dim3A_230 : vector<16xf32> to vector<16xf32>
    tpu.vector_store %arg8[%swap3A_231], %swap3A_234 {strides = array<i32>} : memref<128xf32, #tpu.memory_space<vmem>>, vector<16xf32>,
    %broadcast_in_dim3A_235 = arith.constant 1.000000e+00 : f32
    %broadcast_in_dim3A_236 = vector.broadcast %broadcast_in_dim3A_235 : f32 to vector<16xf32>
    %swap3A_237 = arith.constant 112 : index
    %swap3A_238 = tpu.vector_load %arg8[%swap3A_237] {strides = array<i32>} : memref<128xf32, #tpu.memory_space<vmem>>, vector<16xf32>,
    %swap3A_239 = vector.shape_cast %swap3A_238 : vector<16xf32> to vector<16xf32>
    %swap3A_240 = vector.shape_cast %broadcast_in_dim3A_236 : vector<16xf32> to vector<16xf32>
    tpu.vector_store %arg8[%swap3A_237], %swap3A_240 {strides = array<i32>} : memref<128xf32, #tpu.memory_space<vmem>>, vector<16xf32>,
    %mul3A_241 = arith.constant 2 : i32
    %mul3A_242 = arith.muli %add3A, %mul3A_241 : i32
    "tpu.region"() ({
      %run_scoped3A_287 = tpu.sem_alloc : memref<!tpu.dma_semaphore, #tpu.memory_space<semaphore_mem>>
      %dma_start3A_288 = arith.constant 0 : i32
      %dma_start3A_289 = tpu.memref_slice %arg3[%mul3A_242, %dma_start3A_288] : memref<64x128xi32, #tpu.memory_space<hbm>> -> memref<2x128xi32, #tpu.memory_space<hbm>>
      %dma_start3A_290 = arith.constant 0 : i32
      %dma_start3A_291 = tpu.memref_slice %arg3[%mul3A_242, %dma_start3A_290] : memref<64x128xi32, #tpu.memory_space<hbm>> -> memref<2x128xi32, #tpu.memory_space<hbm>>
      tpu.enqueue_dma source(%dma_start3A_291 : memref<2x128xi32, #tpu.memory_space<hbm>>) target(%arg6 : memref<2x128xi32, #tpu.memory_space<vmem>>) target_semaphore(%run_scoped3A_287 : memref<!tpu.dma_semaphore, #tpu.memory_space<semaphore_mem>>)
      %dma_wait3A_292 = arith.constant 0 : i32
      %dma_wait3A_293 = tpu.memref_slice %arg3[%mul3A_242, %dma_wait3A_292] : memref<64x128xi32, #tpu.memory_space<hbm>> -> memref<2x128xi32, #tpu.memory_space<hbm>>
      %dma_wait3A_294 = arith.constant 0 : i32
      %dma_wait3A_295 = tpu.memref_slice %arg3[%mul3A_242, %dma_wait3A_294] : memref<64x128xi32, #tpu.memory_space<hbm>> -> memref<2x128xi32, #tpu.memory_space<hbm>>
      tpu.wait_dma2 semaphore(%run_scoped3A_287 : memref<!tpu.dma_semaphore, #tpu.memory_space<semaphore_mem>>) src(%dma_wait3A_295 : memref<2x128xi32, #tpu.memory_space<hbm>>) dst(%arg6 : memref<2x128xi32, #tpu.memory_space<vmem>>)
      tpu.yield
    }) : () -> ()
    %dma_start3A = arith.constant 0 : i32
    %dma_start3A_243 = arith.constant 0 : i32
    %dma_start3A_244 = arith.constant 0 : i32
    %dma_start3A_245 = tpu.memref_slice %arg7[%dma_start3A_243, %dma_start3A_244] : memref<256x256xf32, #tpu.memory_space<vmem>> -> memref<128x256xf32, #tpu.memory_space<vmem>>
    %dma_start3A_246 = arith.constant 0 : i32
    %dma_start3A_247 = tpu.memref_slice %arg6[%dma_start3A, %dma_start3A_246] : memref<2x128xi32, #tpu.memory_space<vmem>> -> memref<1x128xi32, #tpu.memory_space<vmem>>
    %dma_start3A_248 = tpu.memref_squeeze %dma_start3A_247 : memref<1x128xi32, #tpu.memory_space<vmem>> -> memref<128xi32, #tpu.memory_space<vmem>>
    %dma_start3A_249 = arith.constant 0 : i32
    %dma_start3A_250 = arith.constant 0 : i32
    %dma_start3A_251 = tpu.memref_slice %arg2[%dma_start3A_249, %dma_start3A_250] : memref<8192x256xf32, #tpu.memory_space<hbm>> -> memref<8192x256xf32, #tpu.memory_space<hbm>>
    tpu.enqueue_indirect_dma source(%dma_start3A_251 : memref<8192x256xf32, #tpu.memory_space<hbm>>) target(%dma_start3A_245 : memref<128x256xf32, #tpu.memory_space<vmem>>) offsets(%dma_start3A_248 : memref<128xi32, #tpu.memory_space<vmem>>) semaphore(%arg11 : memref<!tpu.dma_semaphore, #tpu.memory_space<semaphore_mem>>)
    %dma_start3A_252 = arith.constant 1 : i32
    %dma_start3A_253 = arith.constant 128 : i32
    %dma_start3A_254 = arith.constant 0 : i32
    %dma_start3A_255 = tpu.memref_slice %arg7[%dma_start3A_253, %dma_start3A_254] : memref<256x256xf32, #tpu.memory_space<vmem>> -> memref<128x256xf32, #tpu.memory_space<vmem>>
    %dma_start3A_256 = arith.constant 0 : i32
    %dma_start3A_257 = tpu.memref_slice %arg6[%dma_start3A_252, %dma_start3A_256] : memref<2x128xi32, #tpu.memory_space<vmem>> -> memref<1x128xi32, #tpu.memory_space<vmem>>
    %dma_start3A_258 = tpu.memref_squeeze %dma_start3A_257 : memref<1x128xi32, #tpu.memory_space<vmem>> -> memref<128xi32, #tpu.memory_space<vmem>>
    %dma_start3A_259 = arith.constant 0 : i32
    %dma_start3A_260 = arith.constant 0 : i32
    %dma_start3A_261 = tpu.memref_slice %arg2[%dma_start3A_259, %dma_start3A_260] : memref<8192x256xf32, #tpu.memory_space<hbm>> -> memref<8192x256xf32, #tpu.memory_space<hbm>>
    tpu.enqueue_indirect_dma source(%dma_start3A_261 : memref<8192x256xf32, #tpu.memory_space<hbm>>) target(%dma_start3A_255 : memref<128x256xf32, #tpu.memory_space<vmem>>) offsets(%dma_start3A_258 : memref<128xi32, #tpu.memory_space<vmem>>) semaphore(%arg11 : memref<!tpu.dma_semaphore, #tpu.memory_space<semaphore_mem>>)
    %dma_wait3A = arith.constant 0 : i32
    %dma_wait3A_262 = arith.constant 0 : i32
    %dma_wait3A_263 = arith.constant 0 : i32
    %dma_wait3A_264 = tpu.memref_slice %arg7[%dma_wait3A_262, %dma_wait3A_263] : memref<256x256xf32, #tpu.memory_space<vmem>> -> memref<128x256xf32, #tpu.memory_space<vmem>>
    %dma_wait3A_265 = arith.constant 0 : i32
    %dma_wait3A_266 = tpu.memref_slice %arg6[%dma_wait3A, %dma_wait3A_265] : memref<2x128xi32, #tpu.memory_space<vmem>> -> memref<1x128xi32, #tpu.memory_space<vmem>>
    %dma_wait3A_267 = tpu.memref_squeeze %dma_wait3A_266 : memref<1x128xi32, #tpu.memory_space<vmem>> -> memref<128xi32, #tpu.memory_space<vmem>>
    %dma_wait3A_268 = arith.constant 0 : i32
    %dma_wait3A_269 = arith.constant 0 : i32
    %dma_wait3A_270 = tpu.memref_slice %arg2[%dma_wait3A_268, %dma_wait3A_269] : memref<8192x256xf32, #tpu.memory_space<hbm>> -> memref<8192x256xf32, #tpu.memory_space<hbm>>
    tpu.wait_indirect_dma semaphore(%arg11 : memref<!tpu.dma_semaphore, #tpu.memory_space<semaphore_mem>>) src(%dma_wait3A_270 : memref<8192x256xf32, #tpu.memory_space<hbm>>) dst(%dma_wait3A_264 : memref<128x256xf32, #tpu.memory_space<vmem>>)
    %dma_wait3A_271 = arith.constant 1 : i32
    %dma_wait3A_272 = arith.constant 128 : i32
    %dma_wait3A_273 = arith.constant 0 : i32
    %dma_wait3A_274 = tpu.memref_slice %arg7[%dma_wait3A_272, %dma_wait3A_273] : memref<256x256xf32, #tpu.memory_space<vmem>> -> memref<128x256xf32, #tpu.memory_space<vmem>>
    %dma_wait3A_275 = arith.constant 0 : i32
    %dma_wait3A_276 = tpu.memref_slice %arg6[%dma_wait3A_271, %dma_wait3A_275] : memref<2x128xi32, #tpu.memory_space<vmem>> -> memref<1x128xi32, #tpu.memory_space<vmem>>
    %dma_wait3A_277 = tpu.memref_squeeze %dma_wait3A_276 : memref<1x128xi32, #tpu.memory_space<vmem>> -> memref<128xi32, #tpu.memory_space<vmem>>
    %dma_wait3A_278 = arith.constant 0 : i32
    %dma_wait3A_279 = arith.constant 0 : i32
    %dma_wait3A_280 = tpu.memref_slice %arg2[%dma_wait3A_278, %dma_wait3A_279] : memref<8192x256xf32, #tpu.memory_space<hbm>> -> memref<8192x256xf32, #tpu.memory_space<hbm>>
    tpu.wait_indirect_dma semaphore(%arg11 : memref<!tpu.dma_semaphore, #tpu.memory_space<semaphore_mem>>) src(%dma_wait3A_280 : memref<8192x256xf32, #tpu.memory_space<hbm>>) dst(%dma_wait3A_274 : memref<128x256xf32, #tpu.memory_space<vmem>>)
    %mul3A_281 = arith.constant 256 : i32
    %mul3A_282 = arith.muli %add3A, %mul3A_281 : i32
    "tpu.region"() ({
      %run_scoped3A_287 = tpu.sem_alloc : memref<!tpu.dma_semaphore, #tpu.memory_space<semaphore_mem>>
      %dma_start3A_288 = arith.constant 0 : i32
      %dma_start3A_289 = tpu.memref_slice %arg4[%mul3A_282, %dma_start3A_288] : memref<8192x256xf32, #tpu.memory_space<hbm>> -> memref<256x256xf32, #tpu.memory_space<hbm>>
      %dma_start3A_290 = arith.constant 0 : i32
      %dma_start3A_291 = tpu.memref_slice %arg4[%mul3A_282, %dma_start3A_290] : memref<8192x256xf32, #tpu.memory_space<hbm>> -> memref<256x256xf32, #tpu.memory_space<hbm>>
      tpu.enqueue_dma source(%arg7 : memref<256x256xf32, #tpu.memory_space<vmem>>) target(%dma_start3A_291 : memref<256x256xf32, #tpu.memory_space<hbm>>) target_semaphore(%run_scoped3A_287 : memref<!tpu.dma_semaphore, #tpu.memory_space<semaphore_mem>>)
      %dma_wait3A_292 = arith.constant 0 : i32
      %dma_wait3A_293 = tpu.memref_slice %arg4[%mul3A_282, %dma_wait3A_292] : memref<8192x256xf32, #tpu.memory_space<hbm>> -> memref<256x256xf32, #tpu.memory_space<hbm>>
      %dma_wait3A_294 = arith.constant 0 : i32
      %dma_wait3A_295 = tpu.memref_slice %arg4[%mul3A_282, %dma_wait3A_294] : memref<8192x256xf32, #tpu.memory_space<hbm>> -> memref<256x256xf32, #tpu.memory_space<hbm>>
      tpu.wait_dma2 semaphore(%run_scoped3A_287 : memref<!tpu.dma_semaphore, #tpu.memory_space<semaphore_mem>>) src(%arg7 : memref<256x256xf32, #tpu.memory_space<vmem>>) dst(%dma_wait3A_295 : memref<256x256xf32, #tpu.memory_space<hbm>>)
      tpu.yield
    }) : () -> ()
    %barrier3A = arith.constant 0 : index
    tpu.barrier barrier_id(%barrier3A)
    %run_scoped3A = arith.constant 0 : i32
    "tpu.region"() ({
      %run_scoped3A_287 = tpu.sem_alloc : memref<!tpu.dma_semaphore, #tpu.memory_space<semaphore_mem>>
      %dma_start3A_288 = arith.constant 0 : i32
      %dma_start3A_289 = tpu.memref_slice %arg6[%run_scoped3A, %dma_start3A_288] : memref<2x128xi32, #tpu.memory_space<vmem>> -> memref<1x128xi32, #tpu.memory_space<vmem>>
      %dma_start3A_290 = tpu.memref_squeeze %dma_start3A_289 : memref<1x128xi32, #tpu.memory_space<vmem>> -> memref<128xi32, #tpu.memory_space<vmem>>
      %dma_start3A_291 = arith.constant 0 : i32
      %dma_start3A_292 = tpu.memref_slice %arg10[%dma_start3A_291] : memref<8192xf32, #tpu.memory_space<vmem_shared>> -> memref<8192xf32, #tpu.memory_space<vmem_shared>>
      tpu.enqueue_indirect_dma source(%arg8 : memref<128xf32, #tpu.memory_space<vmem>>) target(%dma_start3A_292 : memref<8192xf32, #tpu.memory_space<vmem_shared>>) offsets(%dma_start3A_290 : memref<128xi32, #tpu.memory_space<vmem>>) semaphore(%run_scoped3A_287 : memref<!tpu.dma_semaphore, #tpu.memory_space<semaphore_mem>>) {add = true}
      %dma_wait3A_293 = arith.constant 0 : i32
      %dma_wait3A_294 = tpu.memref_slice %arg6[%run_scoped3A, %dma_wait3A_293] : memref<2x128xi32, #tpu.memory_space<vmem>> -> memref<1x128xi32, #tpu.memory_space<vmem>>
      %dma_wait3A_295 = tpu.memref_squeeze %dma_wait3A_294 : memref<1x128xi32, #tpu.memory_space<vmem>> -> memref<128xi32, #tpu.memory_space<vmem>>
      %dma_wait3A_296 = arith.constant 0 : i32
      %dma_wait3A_297 = tpu.memref_slice %arg10[%dma_wait3A_296] : memref<8192xf32, #tpu.memory_space<vmem_shared>> -> memref<8192xf32, #tpu.memory_space<vmem_shared>>
      tpu.wait_indirect_dma semaphore(%run_scoped3A_287 : memref<!tpu.dma_semaphore, #tpu.memory_space<semaphore_mem>>) src(%arg8 : memref<128xf32, #tpu.memory_space<vmem>>) dst(%dma_wait3A_297 : memref<8192xf32, #tpu.memory_space<vmem_shared>>)
      tpu.yield
    }) : () -> ()
    %run_scoped3A_283 = arith.constant 1 : i32
    "tpu.region"() ({
      %run_scoped3A_287 = tpu.sem_alloc : memref<!tpu.dma_semaphore, #tpu.memory_space<semaphore_mem>>
      %dma_start3A_288 = arith.constant 0 : i32
      %dma_start3A_289 = tpu.memref_slice %arg6[%run_scoped3A_283, %dma_start3A_288] : memref<2x128xi32, #tpu.memory_space<vmem>> -> memref<1x128xi32, #tpu.memory_space<vmem>>
      %dma_start3A_290 = tpu.memref_squeeze %dma_start3A_289 : memref<1x128xi32, #tpu.memory_space<vmem>> -> memref<128xi32, #tpu.memory_space<vmem>>
      %dma_start3A_291 = arith.constant 0 : i32
      %dma_start3A_292 = tpu.memref_slice %arg10[%dma_start3A_291] : memref<8192xf32, #tpu.memory_space<vmem_shared>> -> memref<8192xf32, #tpu.memory_space<vmem_shared>>
      tpu.enqueue_indirect_dma source(%arg8 : memref<128xf32, #tpu.memory_space<vmem>>) target(%dma_start3A_292 : memref<8192xf32, #tpu.memory_space<vmem_shared>>) offsets(%dma_start3A_290 : memref<128xi32, #tpu.memory_space<vmem>>) semaphore(%run_scoped3A_287 : memref<!tpu.dma_semaphore, #tpu.memory_space<semaphore_mem>>) {add = true}
      %dma_wait3A_293 = arith.constant 0 : i32
      %dma_wait3A_294 = tpu.memref_slice %arg6[%run_scoped3A_283, %dma_wait3A_293] : memref<2x128xi32, #tpu.memory_space<vmem>> -> memref<1x128xi32, #tpu.memory_space<vmem>>
      %dma_wait3A_295 = tpu.memref_squeeze %dma_wait3A_294 : memref<1x128xi32, #tpu.memory_space<vmem>> -> memref<128xi32, #tpu.memory_space<vmem>>
      %dma_wait3A_296 = arith.constant 0 : i32
      %dma_wait3A_297 = tpu.memref_slice %arg10[%dma_wait3A_296] : memref<8192xf32, #tpu.memory_space<vmem_shared>> -> memref<8192xf32, #tpu.memory_space<vmem_shared>>
      tpu.wait_indirect_dma semaphore(%run_scoped3A_287 : memref<!tpu.dma_semaphore, #tpu.memory_space<semaphore_mem>>) src(%arg8 : memref<128xf32, #tpu.memory_space<vmem>>) dst(%dma_wait3A_297 : memref<8192xf32, #tpu.memory_space<vmem_shared>>)
      tpu.yield
    }) : () -> ()
    %barrier3A_284 = arith.constant 0 : index
    tpu.barrier barrier_id(%barrier3A_284)
    %eq3A = arith.constant 0 : i32
    %eq3A_285 = arith.cmpi eq, %arg1, %eq3A : i32
    %convert_element_type3A = arith.extui %eq3A_285 : i1 to i32
    %cond3A = arith.constant 0 : i32
    %cond3A_286 = arith.cmpi ne, %convert_element_type3A, %cond3A : i32
    scf.if %cond3A_286 {
      "tpu.region"() ({
        %run_scoped3A_287 = tpu.sem_alloc : memref<!tpu.dma_semaphore, #tpu.memory_space<semaphore_mem>>
        %dma_start3A_288 = arith.constant 0 : i32
        %dma_start3A_289 = tpu.memref_slice %arg5[%arg0, %dma_start3A_288] : memref<2x8192xf32, #tpu.memory_space<hbm>> -> memref<1x8192xf32, #tpu.memory_space<hbm>>
        %dma_start3A_290 = tpu.memref_squeeze %dma_start3A_289 : memref<1x8192xf32, #tpu.memory_space<hbm>> -> memref<8192xf32, #tpu.memory_space<hbm>>
        tpu.enqueue_dma source(%arg10 : memref<8192xf32, #tpu.memory_space<vmem_shared>>) target(%dma_start3A_290 : memref<8192xf32, #tpu.memory_space<hbm>>) target_semaphore(%run_scoped3A_287 : memref<!tpu.dma_semaphore, #tpu.memory_space<semaphore_mem>>)
        %dma_wait3A_291 = arith.constant 0 : i32
        %dma_wait3A_292 = tpu.memref_slice %arg5[%arg0, %dma_wait3A_291] : memref<2x8192xf32, #tpu.memory_space<hbm>> -> memref<1x8192xf32, #tpu.memory_space<hbm>>
        %dma_wait3A_293 = tpu.memref_squeeze %dma_wait3A_292 : memref<1x8192xf32, #tpu.memory_space<hbm>> -> memref<8192xf32, #tpu.memory_space<hbm>>
        tpu.wait_dma2 semaphore(%run_scoped3A_287 : memref<!tpu.dma_semaphore, #tpu.memory_space<semaphore_mem>>) src(%arg10 : memref<8192xf32, #tpu.memory_space<vmem_shared>>) dst(%dma_wait3A_293 : memref<8192xf32, #tpu.memory_space<hbm>>)
        tpu.yield
      }) : () -> ()
    } else {
    }
    return
  }
}

module attributes {stable_mosaic.version = 14 : i64} {
  func.func @_perp_body(%arg0: memref<2x8192xf32, #tpu.memory_space<vmem>>, %arg1: memref<1x1xf32, #tpu.memory_space<vmem>>) attributes {dimension_semantics = [], scalar_prefetch = 0 : i64, scratch_operands = 0 : i64, tpu.core_type = #tpu.core_type<tc>} {
    %get3A = arith.constant 0 : index
    %get3A_0 = arith.constant 0 : index
    %get3A_1 = vector.load %arg0[%get3A, %get3A_0] : memref<2x8192xf32, #tpu.memory_space<vmem>>, vector<1x8192xf32>
    %get3A_2 = vector.shape_cast %get3A_1 : vector<1x8192xf32> to vector<8192xf32>
    %get3A_3 = arith.constant 1 : index
    %get3A_4 = arith.constant 0 : index
    %get3A_5 = vector.load %arg0[%get3A_3, %get3A_4] : memref<2x8192xf32, #tpu.memory_space<vmem>>, vector<1x8192xf32>
    %get3A_6 = vector.shape_cast %get3A_5 : vector<1x8192xf32> to vector<8192xf32>
    %add3A = arith.addf %get3A_2, %get3A_6 : vector<8192xf32>
    %mul3A = arith.constant 1.22070313E-4 : f32
    %mul3A_7 = vector.broadcast %mul3A : f32 to vector<8192xf32>
    %mul3A_8 = arith.mulf %add3A, %mul3A_7 : vector<8192xf32>
    %add3A_9 = arith.constant 1.1920929E-7 : f32
    %add3A_10 = vector.broadcast %add3A_9 : f32 to vector<8192xf32>
    %add3A_11 = arith.addf %mul3A_8, %add3A_10 : vector<8192xf32>
    %log3A = math.log %add3A_11 : vector<8192xf32>
    %mul3A_12 = arith.mulf %mul3A_8, %log3A : vector<8192xf32>
    %reduce_sum3A = vector.shape_cast %mul3A_12 : vector<8192xf32> to vector<1x8192xf32>
    %reduce_sum3A_13 = arith.constant dense<0.000000e+00> : vector<1xf32>
    %reduce_sum3A_14 = vector.multi_reduction <add>, %reduce_sum3A, %reduce_sum3A_13 [1] : vector<1x8192xf32> to vector<1xf32>
    %reduce_sum3A_15 = vector.shape_cast %reduce_sum3A_14 : vector<1xf32> to vector<1x1xf32>
    %reduce_sum3A_16 = vector.extract %reduce_sum3A_15[0, 0] : f32 from vector<1x1xf32>
    %neg3A = arith.constant 0.000000e+00 : f32
    %neg3A_17 = arith.subf %neg3A, %reduce_sum3A_16 : f32
    %exp3A = math.exp %neg3A_17 : f32
    %broadcast_in_dim3A = vector.broadcast %exp3A : f32 to vector<1x1xf32>
    %swap3A = arith.constant 0 : index
    %swap3A_18 = arith.constant 0 : index
    %swap3A_19 = vector.load %arg1[%swap3A, %swap3A_18] : memref<1x1xf32, #tpu.memory_space<vmem>>, vector<1x1xf32>
    tpu.vector_store %arg1[%swap3A, %swap3A_18], %broadcast_in_dim3A {strides = array<i32>} : memref<1x1xf32, #tpu.memory_space<vmem>>, vector<1x1xf32>,
    return
  }
}

</mosaic_0001>

<sc_bundles>
// kernel: kernel.4.cloned.1.call-start
scs
__scs_entry_jumppad:
0x0: {  	(pc) =	sbr.rel $0x88, $3  }
0x1: {  	(tag) =	ssettag $0x0;
	lr =	simm.s32 $0x1  }
0x2: {  	[smem:$0x3F9F] =	sst lr;
	_ =	strace $0xD0000000  }
0x3: {  	_ = 	snop  }
0x4: {  	_ = 	snop  }
0x5: {  	_ = 	snop  }
0x6: {  	_ = 	snop  }
0x7: {  	_ = 	snop  }
__scs_overlays_trampoline_lowered:
0x8: {  	[smem:$0x3FAE] =	sst s0  }
0x9: {  	[smem:$0x3FAF] =	sst s1  }
0xa: {  	[smem:$0x3FB0] =	sst s2  }
0xb: {  	[smem:$0x3FB1] =	sst s3  }
0xc: {  	[smem:$0x3FB2] =	sst s4  }
0xd: {  	[smem:$0x3FB3] =	sst s5  }
0xe: {  	[smem:$0x3FB4] =	sst s6  }
0xf: {  	[smem:$0x3FB5] =	sst s7  }
0x10: {  	[smem:$0x3FB6] =	sst s8  }
0x11: {  	[smem:$0x3FB7] =	sst s9;
	s0 =	simm.s32 @!p0 $0x0  }
0x12: {  	s1 =	sld [smem:$0x3F9D];
	s0 =	simm.s32 @p0 $0x1  }
0x13: {  	[smem:$0x3FB8] =	sst s0;
	s0 =	simm.s32 @!p1 $0x0  }
0x14: {  	s2 =	sld [smem:$0x3F9C];
	s0 =	simm.s32 @p1 $0x1  }
0x15: {  	[smem:$0x3FB9] =	sst s0;
	s0 =	simm.s32 @!p2 $0x0  }
0x16: {  	s3 =	sld [smem:$0x3FDB];
	s0 =	simm.s32 @p2 $0x1  }
0x17: {  	s4 =	simm.s32 $0x1BF5;
	[smem:$0x3FBB] =	sst s0  }
0x18: {  	s0 =	sld [smem:$0x3F9E];
	_ =	swait.ge [sflag:s4], $0x0  }
0x19: {  	s7 =	sld [smem:$0x3F9F]  }
0x1a: {  	s8 =	sadd.s32 $0xFFFFE003, lr  }
0x1b: {  	s9 =	sadd.s32 $0xFFFFFEF7, lr;
	s5 =	simm.s32 $0xFFFFFFFF;
	p2 =	slt.u32 s8, $0xFFFFF086  }
0x1c: {  	p1 =	slt.u32 s9, $0xF7A;
	s5 =	simm.s32 @!p2 $0x0  }
0x1d: {  	s5 =	simm.s32 @p1 $0x1;
	p0 =	seq.s32 s7, s2  }
0x1e: {  	s7 =	smul.u32 @!p0 $0xF7A, s2;
	p2 =	seq.s32 @!p0 s5, $0x0  }
0x1f: {  	s9 =	smul.u32 $0xF7A, s1;
	s8 =	simm.s32 @!p0 $0x1BF5;
	p2 =	por !p2, p0  }
0x20: {  	[sflag:s8] =	ssyncset.s32 @!p0 $0xFFFFF086;
	s6 =	sadd.s32 @!p0 s3, s7;
	s7 =	simm.s32 @!p0 $0x108  }
0x21: {  	s3 =	sadd.s32 s3, s9;
	s6 =	sadd.s32 @!p0 $0x88, s6;
	s7 =	simm.s32 @p2 $0x1082  }
0x22: {  	[simem:s7], [sflag:s8] =	dma.local @!p0 [hbm:s6], $0xF7A  }
0x23: {  	s9 =	sor.u32 $0xD0000000, s2;
	s6 =	simm.s32 $0x108;
	_ =	swait.ge @!p0 [sflag:s8], $0x0  }
0x24: {  	s3 =	sadd.s32 $0x88, s3;
	s6 =	simm.s32 @!p1 $0x1082;
	[sflag:s4] =	ssyncset.s32 $0xFFFFF086  }
0x25: {  	[simem:s6], [sflag:s4] =	dma.local [hbm:s3], $0xF7A  }
0x26: {  	[smem:$0x3F9F] =	sst s1;
	(tag) =	ssettag s2;
	_ =	strace s9  }
0x27: {  	s1 =	sld [smem:$0x3FAF]  }
0x28: {  	s2 =	sld [smem:$0x3FB0]  }
0x29: {  	s4 =	sld [smem:$0x3FB2]  }
0x2a: {  	p0 =	seq.s32 s5, $0x0;
	s5 =	sld [smem:$0x3FB3]  }
0x2b: {  	s6 =	sld [smem:$0x3FB4]  }
0x2c: {  	s7 =	sld [smem:$0x3FB5]  }
0x2d: {  	s3 =	simm.s32 $0x108;
	s8 =	sld [smem:$0x3FB6]  }
0x2e: {  	s3 =	simm.s32 @!p0 $0x1082;
	s9 =	sld [smem:$0x3FB7]  }
0x2f: {  	lr =	sadd.s32 s0, s3;
	s0 =	sld [smem:$0x3FAE]  }
0x30: {  	s3 =	sld [smem:$0x3FB1]  }
0x31: {  	[smem:$0x3FBA] =	sst s10  }
0x32: {  	s10 =	sld [smem:$0x3FB8];
	_ =	sdelay $0x3  }
0x33: {  	p0 =	seq.s32 s10, $0x1;
	s10 =	sld [smem:$0x3FBA];
	_ =	sdelay $0x3  }
0x34: {  	[smem:$0x3FBA] =	sst s10  }
0x35: {  	s10 =	sld [smem:$0x3FB9];
	_ =	sdelay $0x3  }
0x36: {  	p1 =	seq.s32 s10, $0x1;
	s10 =	sld [smem:$0x3FBA];
	_ =	sdelay $0x3  }
0x37: {  	[smem:$0x3FBA] =	sst s10  }
0x38: {  	s10 =	sld [smem:$0x3FBB]  }
0x39: {  	_ = 	snop;
	(pc) =	sbr.ind lr, $3  }
0x3a: {  	_ = 	snop  }
0x3b: {  	_ = 	snop  }
0x3c: {  	p2 =	seq.s32 s10, $0x1;
	s10 =	sld [smem:$0x3FBA]  }
0x3d: {  	_ =	shalt  }
0x3e: {  	_ =	shalt  }
0x3f: {  	_ =	shalt  }
0x40: {  	_ =	shalt  }
0x41: {  	_ =	shalt  }
0x42: {  	_ =	shalt  }
0x43: {  	_ =	shalt  }
0x44: {  	_ =	shalt  }
0x45: {  	_ =	shalt  }
0x46: {  	_ =	shalt  }
0x47: {  	_ =	shalt  }
0x48: {  	_ =	shalt  }
0x49: {  	_ =	shalt  }
0x4a: {  	_ =	shalt  }
0x4b: {  	_ =	shalt  }
0x4c: {  	_ =	shalt  }
0x4d: {  	_ =	shalt  }
0x4e: {  	_ =	shalt  }
0x4f: {  	_ =	shalt  }
0x50: {  	_ =	shalt  }
0x51: {  	_ =	shalt  }
0x52: {  	_ =	shalt  }
0x53: {  	_ =	shalt  }
0x54: {  	_ =	shalt  }
0x55: {  	_ =	shalt  }
0x56: {  	_ =	shalt  }
0x57: {  	_ =	shalt  }
0x58: {  	_ =	shalt  }
0x59: {  	_ =	shalt  }
0x5a: {  	_ =	shalt  }
0x5b: {  	_ =	shalt  }
0x5c: {  	_ =	shalt  }
0x5d: {  	_ =	shalt  }
0x5e: {  	_ =	shalt  }
0x5f: {  	_ =	shalt  }
0x60: {  	_ =	shalt  }
0x61: {  	_ =	shalt  }
0x62: {  	_ =	shalt  }
0x63: {  	_ =	shalt  }
0x64: {  	_ =	shalt  }
0x65: {  	_ =	shalt  }
0x66: {  	_ =	shalt  }
0x67: {  	_ =	shalt  }
0x68: {  	_ =	shalt  }
0x69: {  	_ =	shalt  }
0x6a: {  	_ =	shalt  }
0x6b: {  	_ =	shalt  }
0x6c: {  	_ =	shalt  }
0x6d: {  	_ =	shalt  }
0x6e: {  	_ =	shalt  }
0x6f: {  	_ =	shalt  }
0x70: {  	_ =	shalt  }
0x71: {  	_ =	shalt  }
0x72: {  	_ =	shalt  }
0x73: {  	_ =	shalt  }
0x74: {  	_ =	shalt  }
0x75: {  	_ =	shalt  }
0x76: {  	_ =	shalt  }
0x77: {  	_ =	shalt  }
0x78: {  	_ =	shalt  }
0x79: {  	_ =	shalt  }
0x7a: {  	_ =	shalt  }
0x7b: {  	_ =	shalt  }
0x7c: {  	_ =	shalt  }
0x7d: {  	_ =	shalt  }
0x7e: {  	_ =	shalt  }
0x7f: {  	_ =	shalt  }
0x80: {  	_ =	shalt  }
0x81: {  	_ =	shalt  }
0x82: {  	_ =	shalt  }
0x83: {  	_ =	shalt  }
0x84: {  	_ =	shalt  }
0x85: {  	_ =	shalt  }
0x86: {  	_ =	shalt  }
0x87: {  	_ =	shalt  }
.Lfunc_end0:
.L_simem_size_0:
called_computation_lowered:
.L_overlay_start_0:
0x88: {  	s2 =	sld [smem:$0x3FD9]  }
0x89: {  	s3 =	sld [smem:$0x3FFE];
	_ =	sdelay $0x1  }
0x8a: {  	s1 =	srdreg.scid  }
0x8b: {  	s0 =	sand.u32 $0x1, s1  }
0x8c: {  	s14 =	sshll.u32 s0, $0xA;
	s2 =	sadd.s32 s3, s2  }
0x8d: {  	s2 =	sadd.s32 s2, s14  }
0x8e: {  	[smem:$0x3FC6] =	sst s2  }
0x8f: {  	_ = 	snop  }
0x90: {  	s2 =	sld [smem:$0x3FD0];
	_ =	sdelay $0x2  }
0x91: {  	s4 =	simm.s32 $0xA;
	s5 =	simm.s32 $0x10;
	s15 =	sld [smem:$0x3FC8]  }
0x92: {  	[smem:s5], [sflag:s4] =	dma.local [hbm:s2], $0x1  }
0x93: {  	_ =	swait.eq [sflag:s4], $0x1  }
0x94: {  	[sflag:s4] =	ssyncset.done $0x0  }
0x95: {  	[sflag:s4] =	ssyncadd.s32 $0xFFFFFFFF  }
0x96: {  	s16 =	sld [smem:$0x10];
	(tm) =	ssettm $0x1  }
0x97: {  	s17 =	sld [smem:$0x3FFB];
	_ =	sdelay $0x3  }
0x98: {  	_ =	strace s17  }
0x99: {  	s4 =	sld [smem:$0x3FFC];
	_ =	sdelay $0x3  }
0x9a: {  	_ =	strace s4  }
0x9b: {  	s4 =	sld [smem:$0x3FFD];
	_ =	sdelay $0x3  }
0x9c: {  	_ =	strace s4  }
0x9d: {  	_ =	strace $0x8FFFFFFF  }
0x9e: {  	s18 =	sld [smem:$0x3FDB];
	_ =	sdelay $0x1  }
0x9f: {  	s19 =	simm.s32 $_scs_section_size  }
0xa0: {  	s6 =	simm.s32 $_size__tile_overlayer_lowered;
	s7 =	simm.s32 $_tile_overlayer_lowered  }
0xa1: {  	s22 =	simm.s32 $0x1BFF;
	s21 =	sshll.u32 s7, $0x1;
	s4 =	sadd.s32 s19, s18  }
0xa2: {  	s8 =	simm.s32 $0x0;
	s20 =	sshll.u32 s6, $0x1;
	s6 =	sadd.s32 s21, s4  }
0xa3: {  	[timem:s8], [sflag:s22] =	dma.local [hbm:s6], s20  }
0xa4: {  	_ =	swait.ge [sflag:s22], s20  }
0xa5: {  	s5 =	ssub.s32 $0x0, s20;
	[sflag:s22] =	ssyncset.done $0x0  }
0xa6: {  	[sflag:s22] =	ssyncadd.s32 s5;
	_ =	sdelay $0x1  }
0xa7: {  	s23 =	simm.s32 $0x1B8B  }
0xa8: {  	_ =	swait.ge [sflag:s23], $0x1  }
0xa9: {  	[sflag:s23] =	ssyncset.done $0x0  }
0xaa: {  	s25 =	simm.s32 $0x1B8E;
	s24 =	sld [smem:$0x3FFE];
	[sflag:s23] =	ssyncadd.s32 $0xFFFFFFFF  }
0xab: {  	s26 =	simm.s32 $execute0_lowered;
	[smem:$0x3FD2] =	sst s25  }
0xac: {  	s6 =	sshll.u32 s26, $0x1;
	_ =	strace $0x80000046;
	[dreg:$0x1] =	wrdreg $0xFFFFFFFF  }
0xad: {  	s28 =	simm.s32 $_size_execute0_lowered;
	s4 =	sadd.s32 s4, s6;
	[dreg:$0x0] =	wrdreg $0x0  }
0xae: {  	s6 =	sshll.u32 s28, $0x1;
	[dreg:$0x2] =	wrdreg s4  }
0xaf: {  	[dreg:$0x3] =	wrdreg s6  }
0xb0: {  	[dreg:$0x4] =	wrdreg $0xC0  }
0xb1: {  	_ =	task [dreg:s8], $0x5FFFF  }
0xb2: {  	[dreg:$0x1] =	wrdreg $0xFFFFFFFF  }
0xb3: {  	[dreg:$0x0] =	wrdreg $0x60  }
0xb4: {  	[dreg:$0x2] =	wrdreg s15  }
0xb5: {  	[dreg:$0x3] =	wrdreg s24  }
0xb6: {  	[dreg:$0x4] =	wrdreg s16  }
0xb7: {  	[dreg:$0x5] =	wrdreg $0x103800  }
0xb8: {  	[dreg:$0x6] =	wrdreg $0x9  }
0xb9: {  	_ =	task.clear_ibuf [dreg:s8], $0x7FFFF;
	_ =	strace $0x90000046  }
0xba: {  	s29 =	simm.s32 $0x9;
	_ =	strace $0x80000048  }
0xbb: {  	_ =	swait.ge [sflag:s29], $0x1  }
0xbc: {  	[sflag:s29] =	ssyncadd.s32 $0xFFFFFFFF  }
0xbd: {  	_ =	strace $0x90000048  }
0xbe: {  	_ =	sfence  }
0xbf: {  	s30 =	sld [smem:$0x0];
	_ =	sdelay $0x2  }
0xc0: {  	s31 =	sshll.u32 s1, $0xD;
	s1 =	sshrl.u32 s1, $0x2  }
0xc1: {  	s3 =	sand.u32 $0x4000, s31;
	s1 =	sadd.s32 s1, s30  }
0xc2: {  	s0 =	sor.u32 s3, s0;
	s1 =	sshll.u32 s1, $0x11  }
0xc3: {  	s0 =	sor.u32 s1, s0  }
0xc4: {  	s0 =	sadd.s32 $0x8F2B, s0  }
0xc5: {  	[sflag:s0] =	ssyncadd.remote.s32 $0x1  }
0xc6: {  	_ =	sfence.sel $0xFFFF  }
0xc7: {  	[dreg:$0x0] =	wrdreg $0xFFFFFFFF;
	(pc) =	sbr.abs _section_cstart, $3  }
0xc8: {  	[dreg:$0x1] =	wrdreg $0xFFFFFFFF  }
0xc9: {  	_ =	task.clear_ibuf [dreg:s8], $0x2FFFF;
	_ =	strace $0x9FFFFFFF  }
0xca: {  	(tm) =	ssettm $0x7FFFFFFF  }
0xcb: {  	_ =	shalt  }
tec
execute0_lowered:
.L_overlay_start_1:
0x0: {  	(tag) =	ssettag $0x1  }
0x1: {  	s1 =	rddreg [dreg:$0x0]  }
0x2: {  	s4 =	rddreg [dreg:$0x1]  }
0x3: {  	s5 =	rddreg [dreg:$0x2]  }
0x4: {  	s2 =	rddreg [dreg:$0x3];
	s3 =	simm.s32 $0x0  }
0x5: {  	s14 =	simm.s32 $0x10180;
	[smem:$0x7FF] =	sst s3  }
0x6: {  	s15 =	simm.s32 $0x900;
	_ =	strace $0x80000047;
	[dreg:$0x9] =	wrdreg s14  }
0x7: {  	s16 =	simm.s32 $0x1100;
	[dreg:$0xa] =	wrdreg s15  }
0x8: {  	s17 =	simm.s32 $0x1900;
	[dreg:$0xb] =	wrdreg s16  }
0x9: {  	s18 =	simm.s32 $0x2100;
	[dreg:$0xc] =	wrdreg s17  }
0xa: {  	s19 =	simm.s32 $0x2900;
	[dreg:$0xd] =	wrdreg s18  }
0xb: {  	s20 =	simm.s32 $0x3100;
	[dreg:$0xe] =	wrdreg s19  }
0xc: {  	s6 =	srdreg.scid;
	s21 =	simm.s32 $0x3900;
	[dreg:$0xf] =	wrdreg s20  }
0xd: {  	s7 =	stileid.u32;
	s22 =	simm.s32 $0x4100;
	[dreg:$0x10] =	wrdreg s21  }
0xe: {  	s23 =	simm.s32 $0x4900;
	s25 =	simm.s32 $0x5100;
	[dreg:$0x11] =	wrdreg s22  }
0xf: {  	s26 =	simm.s32 $0x5900;
	s28 =	simm.s32 $0x6100;
	[dreg:$0x12] =	wrdreg s23  }
0x10: {  	s29 =	simm.s32 $0x6900;
	s30 =	simm.s32 $0x7100;
	[dreg:$0x13] =	wrdreg s25  }
0x11: {  	s31 =	simm.s32 $0x7900;
	s6 =	sand.u32 $0x1, s6;
	[dreg:$0x14] =	wrdreg s26  }
0x12: {  	s8 =	sshll.u32 s7, $0x1;
	s9 =	sshll.u32 s7, $0x9;
	[dreg:$0x15] =	wrdreg s28  }
0x13: {  	p0 =	sne.s32 s7, $0x0;
	s7 =	simm.s32 $0x8100;
	[dreg:$0x16] =	wrdreg s29  }
0x14: {  	s8 =	sor.u32 s6, s8;
	s9 =	sadd.s32 s9, s2;
	[dreg:$0x17] =	wrdreg s30  }
0x15: {  	s12 =	sshll.u32 s6, $0x4;
	s24 =	ssub.s32 $0x2, s6;
	[dreg:$0x18] =	wrdreg s31  }
0x16: {  	s14 =	simm.s32 $0xB900;
	s15 =	simm.s32 $0xC100;
	s16 =	simm.s32 $0xC900  }
0x17: {  	s17 =	simm.s32 $0xD100;
	s18 =	simm.s32 $0xD900;
	s19 =	simm.s32 $0xE100  }
0x18: {  	s20 =	simm.s32 $0xE900;
	s21 =	simm.s32 $0xF100;
	s22 =	simm.s32 $0xF900  }
0x19: {  	s23 =	simm.s32 $0x1;
	s25 =	simm.s32 $0x10100;
	s10 =	sshll.u32 s8, $0xD  }
0x1a: {  	s8 =	sshll.u32 s8, $0x5;
	[dreg:$0x5] =	wrdreg s9;
	s13 =	sadd.s32 s5, s12  }
0x1b: {  	s6 =	sshrl.u32 s24, $0x1;
	s9 =	simm.s32 $0x9100;
	s12 =	simm.s32 $0xA900  }
0x1c: {  	s10 =	sadd.s32 s10, s4;
	s4 =	sadd.s32 s4, s8;
	[dreg:$0x8] =	wrdreg s13  }
0x1d: {  	s5 =	ssub.s32 s24, s6;
	s6 =	simm.s32 $0x100;
	s8 =	simm.s32 $0x8900  }
0x1e: {  	v0 =	vimm.f32 $0.0e+00;
	v4 =	vlaneseq.u32;
	s13 =	simm.s32 $0xB100;
	s24 =	simm.s32 $0x80;
	[dreg:$0x6] =	wrdreg s4  }
0x1f: {  	v1 =	vimm.f32 $1.000000000e+00;
	vm0 =	vmmov $0xffff;
	v3 =	vshrl.u32 v4, $0x3;
	s11 =	sadd.s32 $0x400, s10;
	s4 =	smax.u32 s5, $0x1;
	s5 =	simm.s32 $0x2  }
0x20: {  	v2 =	vand.u32 $0x7, v4;
	v4 =	vor.u32 $0x8, v4;
	v3 =	vmul.u32 $0x8, v3;
	s10 =	simm.s32 $0x9900;
	[dreg:$0x7] =	wrdreg s11;
	s11 =	simm.s32 $0xA100  }
.LBB2_1:
0x21: {  	[tilespmem:$0x10180] =	vst v0  }
0x22: {  	[tilespmem:$0x10190] =	vst v0  }
0x23: {  	[tilespmem:$0x101A0] =	vst v0  }
0x24: {  	[tilespmem:$0x101B0] =	vst v0  }
0x25: {  	[tilespmem:$0x101C0] =	vst v0  }
0x26: {  	[tilespmem:$0x101D0] =	vst v0  }
0x27: {  	[tilespmem:$0x101E0] =	vst v0  }
0x28: {  	[tilespmem:$0x101F0] =	vst v0  }
0x29: {  	[tilespmem:$0x10200] =	vst v0  }
0x2a: {  	[tilespmem:$0x10210] =	vst v0  }
0x2b: {  	[tilespmem:$0x10220] =	vst v0  }
0x2c: {  	[tilespmem:$0x10230] =	vst v0  }
0x2d: {  	[tilespmem:$0x10240] =	vst v0  }
0x2e: {  	[tilespmem:$0x10250] =	vst v0  }
0x2f: {  	[tilespmem:$0x10260] =	vst v0  }
0x30: {  	[tilespmem:$0x10270] =	vst v0  }
0x31: {  	[tilespmem:$0x10280] =	vst v0  }
0x32: {  	[tilespmem:$0x10290] =	vst v0  }
0x33: {  	[tilespmem:$0x102A0] =	vst v0  }
0x34: {  	[tilespmem:$0x102B0] =	vst v0  }
0x35: {  	[tilespmem:$0x102C0] =	vst v0  }
0x36: {  	[tilespmem:$0x102D0] =	vst v0  }
0x37: {  	[tilespmem:$0x102E0] =	vst v0  }
0x38: {  	[tilespmem:$0x102F0] =	vst v0  }
0x39: {  	[tilespmem:$0x10300] =	vst v0  }
0x3a: {  	[tilespmem:$0x10310] =	vst v0  }
0x3b: {  	[tilespmem:$0x10320] =	vst v0  }
0x3c: {  	[tilespmem:$0x10330] =	vst v0  }
0x3d: {  	[tilespmem:$0x10340] =	vst v0  }
0x3e: {  	[tilespmem:$0x10350] =	vst v0  }
0x3f: {  	s26 =	rddreg [dreg:$0x5];
	[tilespmem:$0x10360] =	vst v0  }
0x40: {  	s28 =	rddreg [dreg:$0x9];
	[tilespmem:$0x10370] =	vst v0  }
0x41: {  	[spmem:s26] =	stream.linear.scatter [tilespmem:s28], [sflag:$0x2], $0x200, $0x38;
	[tilespmem:$0x10580] =	vst v63  }
0x42: {  	_ =	swait.ge [sflag:s5], $0x200  }
0x43: {  	[sflag:s5] =	ssyncset.done $0x0  }
0x44: {  	[sflag:s5] =	ssyncadd.s32 $0xFFFFFE00  }
0x45: {  	[tilespmem:$0x10100] =	vst v1  }
0x46: {  	[tilespmem:$0x10110] =	vst v1  }
0x47: {  	[tilespmem:$0x10120] =	vst v1  }
0x48: {  	[tilespmem:$0x10130] =	vst v1  }
0x49: {  	[tilespmem:$0x10140] =	vst v1  }
0x4a: {  	[tilespmem:$0x10150] =	vst v1  }
0x4b: {  	[tilespmem:$0x10160] =	vst v1  }
0x4c: {  	s0 =	rddreg [dreg:$0x6];
	[tilespmem:$0x10170] =	vst v1  }
0x4d: {  	[tilespmem:s3], [sflag:$0x2] =	stream.linear.gather [hbm4b:s0+s3], $0x100, $0x38;
	[tilespmem:$0x10580] =	vst v63  }
0x4e: {  	_ =	swait.ge [sflag:s5], $0x100  }
0x4f: {  	[sflag:s5] =	ssyncset.done $0x0  }
0x50: {  	[sflag:s5] =	ssyncadd.s32 $0xFFFFFF00  }
0x51: {  	v5 =	vld [tilespmem:$0x0];
	_ =	sdelay $0x4  }
0x52: {  	v6 =	vshll.u32 v5, $0x1  }
0x53: {  	v5 =	vand.u32 $0x7, v5;
	v6 =	vand.u32 $0xFFFFFFF0, v6  }
0x54: {  	v5 =	vor.u32 v5, v6  }
0x55: {  	v6 =	vperm.xlane v5, v2;
	_ =	sdelay $0x1  }
0x56: {  	v5 =	vperm.xlane v5, v4;
	v6 =	vadd.s32 v3, v6;
	_ =	sdelay $0x1  }
0x57: {  	v5 =	vadd.s32 v3, v5;
	_ =	sdelay $0x2  }
0x58: {  	[tilespmem:s6], [sflag:$0x1] =	stream.indirect_vreg.gather [hbm4b:s1+s3], $0x80, v6, vm0, $0xb8;
	[tilespmem:$0x10580] =	vst v63  }
0x59: {  	s28 =	rddreg [dreg:$0xa]  }
0x5a: {  	[tilespmem:s28], [sflag:$0x1] =	stream.indirect_vreg.gather [hbm4b:s1+s3], $0x80, v5, vm0, $0xb8;
	[tilespmem:$0x10580] =	vst v63  }
0x5b: {  	v5 =	vld [tilespmem:$0x10];
	_ =	sdelay $0x4  }
0x5c: {  	v6 =	vshll.u32 v5, $0x1  }
0x5d: {  	v5 =	vand.u32 $0x7, v5;
	v6 =	vand.u32 $0xFFFFFFF0, v6  }
0x5e: {  	v5 =	vor.u32 v5, v6  }
0x5f: {  	v6 =	vperm.xlane v5, v2;
	_ =	sdelay $0x1  }
0x60: {  	v5 =	vperm.xlane v5, v4;
	v6 =	vadd.s32 v3, v6;
	_ =	sdelay $0x1  }
0x61: {  	v5 =	vadd.s32 v3, v5;
	_ =	sdelay $0x1  }
0x62: {  	s29 =	rddreg [dreg:$0xb]  }
0x63: {  	[tilespmem:s29], [sflag:$0x1] =	stream.indirect_vreg.gather [hbm4b:s1+s3], $0x80, v6, vm0, $0xb8;
	[tilespmem:$0x10580] =	vst v63  }
0x64: {  	s30 =	rddreg [dreg:$0xc]  }
0x65: {  	[tilespmem:s30], [sflag:$0x1] =	stream.indirect_vreg.gather [hbm4b:s1+s3], $0x80, v5, vm0, $0xb8;
	[tilespmem:$0x10580] =	vst v63  }
0x66: {  	v5 =	vld [tilespmem:$0x20];
	_ =	sdelay $0x4  }
0x67: {  	v6 =	vshll.u32 v5, $0x1  }
0x68: {  	v5 =	vand.u32 $0x7, v5;
	v6 =	vand.u32 $0xFFFFFFF0, v6  }
0x69: {  	v5 =	vor.u32 v5, v6  }
0x6a: {  	v6 =	vperm.xlane v5, v2;
	_ =	sdelay $0x1  }
0x6b: {  	v5 =	vperm.xlane v5, v4;
	v6 =	vadd.s32 v3, v6;
	_ =	sdelay $0x1  }
0x6c: {  	v5 =	vadd.s32 v3, v5;
	_ =	sdelay $0x1  }
0x6d: {  	s31 =	rddreg [dreg:$0xd]  }
0x6e: {  	[tilespmem:s31], [sflag:$0x1] =	stream.indirect_vreg.gather [hbm4b:s1+s3], $0x80, v6, vm0, $0xb8;
	[tilespmem:$0x10580] =	vst v63  }
0x6f: {  	s0 =	rddreg [dreg:$0xe]  }
0x70: {  	[tilespmem:s0], [sflag:$0x1] =	stream.indirect_vreg.gather [hbm4b:s1+s3], $0x80, v5, vm0, $0xb8;
	[tilespmem:$0x10580] =	vst v63  }
0x71: {  	v5 =	vld [tilespmem:$0x30];
	_ =	sdelay $0x4  }
0x72: {  	v6 =	vshll.u32 v5, $0x1  }
0x73: {  	v5 =	vand.u32 $0x7, v5;
	v6 =	vand.u32 $0xFFFFFFF0, v6  }
0x74: {  	v5 =	vor.u32 v5, v6  }
0x75: {  	v6 =	vperm.xlane v5, v2;
	_ =	sdelay $0x1  }
0x76: {  	v5 =	vperm.xlane v5, v4;
	v6 =	vadd.s32 v3, v6;
	_ =	sdelay $0x1  }
0x77: {  	v5 =	vadd.s32 v3, v5;
	_ =	sdelay $0x1  }
0x78: {  	s29 =	rddreg [dreg:$0xf]  }
0x79: {  	[tilespmem:s29], [sflag:$0x1] =	stream.indirect_vreg.gather [hbm4b:s1+s3], $0x80, v6, vm0, $0xb8;
	[tilespmem:$0x10580] =	vst v63  }
0x7a: {  	s30 =	rddreg [dreg:$0x10]  }
0x7b: {  	[tilespmem:s30], [sflag:$0x1] =	stream.indirect_vreg.gather [hbm4b:s1+s3], $0x80, v5, vm0, $0xb8;
	[tilespmem:$0x10580] =	vst v63  }
0x7c: {  	v5 =	vld [tilespmem:$0x40];
	_ =	sdelay $0x4  }
0x7d: {  	v6 =	vshll.u32 v5, $0x1  }
0x7e: {  	v5 =	vand.u32 $0x7, v5;
	v6 =	vand.u32 $0xFFFFFFF0, v6  }
0x7f: {  	v5 =	vor.u32 v5, v6  }
0x80: {  	v6 =	vperm.xlane v5, v2;
	_ =	sdelay $0x1  }
0x81: {  	v5 =	vperm.xlane v5, v4;
	v6 =	vadd.s32 v3, v6;
	_ =	sdelay $0x1  }
0x82: {  	v5 =	vadd.s32 v3, v5;
	_ =	sdelay $0x1  }
0x83: {  	s31 =	rddreg [dreg:$0x11]  }
0x84: {  	[tilespmem:s31], [sflag:$0x1] =	stream.indirect_vreg.gather [hbm4b:s1+s3], $0x80, v6, vm0, $0xb8;
	[tilespmem:$0x10580] =	vst v63  }
0x85: {  	s0 =	rddreg [dreg:$0x12]  }
0x86: {  	[tilespmem:s0], [sflag:$0x1] =	stream.indirect_vreg.gather [hbm4b:s1+s3], $0x80, v5, vm0, $0xb8;
	[tilespmem:$0x10580] =	vst v63  }
0x87: {  	v5 =	vld [tilespmem:$0x50];
	_ =	sdelay $0x4  }
0x88: {  	v6 =	vshll.u32 v5, $0x1  }
0x89: {  	v5 =	vand.u32 $0x7, v5;
	v6 =	vand.u32 $0xFFFFFFF0, v6  }
0x8a: {  	v5 =	vor.u32 v5, v6  }
0x8b: {  	v6 =	vperm.xlane v5, v2;
	_ =	sdelay $0x1  }
0x8c: {  	v5 =	vperm.xlane v5, v4;
	v6 =	vadd.s32 v3, v6;
	_ =	sdelay $0x1  }
0x8d: {  	v5 =	vadd.s32 v3, v5;
	_ =	sdelay $0x1  }
0x8e: {  	s29 =	rddreg [dreg:$0x13]  }
0x8f: {  	[tilespmem:s29], [sflag:$0x1] =	stream.indirect_vreg.gather [hbm4b:s1+s3], $0x80, v6, vm0, $0xb8;
	[tilespmem:$0x10580] =	vst v63  }
0x90: {  	s30 =	rddreg [dreg:$0x14]  }
0x91: {  	[tilespmem:s30], [sflag:$0x1] =	stream.indirect_vreg.gather [hbm4b:s1+s3], $0x80, v5, vm0, $0xb8;
	[tilespmem:$0x10580] =	vst v63  }
0x92: {  	v5 =	vld [tilespmem:$0x60];
	_ =	sdelay $0x4  }
0x93: {  	v6 =	vshll.u32 v5, $0x1  }
0x94: {  	v5 =	vand.u32 $0x7, v5;
	v6 =	vand.u32 $0xFFFFFFF0, v6  }
0x95: {  	v5 =	vor.u32 v5, v6  }
0x96: {  	v6 =	vperm.xlane v5, v2;
	_ =	sdelay $0x1  }
0x97: {  	v5 =	vperm.xlane v5, v4;
	v6 =	vadd.s32 v3, v6;
	_ =	sdelay $0x1  }
0x98: {  	v5 =	vadd.s32 v3, v5;
	_ =	sdelay $0x1  }
0x99: {  	s31 =	rddreg [dreg:$0x15]  }
0x9a: {  	[tilespmem:s31], [sflag:$0x1] =	stream.indirect_vreg.gather [hbm4b:s1+s3], $0x80, v6, vm0, $0xb8;
	[tilespmem:$0x10580] =	vst v63  }
0x9b: {  	s0 =	rddreg [dreg:$0x16]  }
0x9c: {  	[tilespmem:s0], [sflag:$0x1] =	stream.indirect_vreg.gather [hbm4b:s1+s3], $0x80, v5, vm0, $0xb8;
	[tilespmem:$0x10580] =	vst v63  }
0x9d: {  	v5 =	vld [tilespmem:$0x70];
	_ =	sdelay $0x4  }
0x9e: {  	v6 =	vshll.u32 v5, $0x1  }
0x9f: {  	v5 =	vand.u32 $0x7, v5;
	v6 =	vand.u32 $0xFFFFFFF0, v6  }
0xa0: {  	v5 =	vor.u32 v5, v6  }
0xa1: {  	v6 =	vperm.xlane v5, v2;
	_ =	sdelay $0x1  }
0xa2: {  	v5 =	vperm.xlane v5, v4;
	v6 =	vadd.s32 v3, v6;
	_ =	sdelay $0x1  }
0xa3: {  	v5 =	vadd.s32 v3, v5;
	_ =	sdelay $0x1  }
0xa4: {  	s29 =	rddreg [dreg:$0x17]  }
0xa5: {  	[tilespmem:s29], [sflag:$0x1] =	stream.indirect_vreg.gather [hbm4b:s1+s3], $0x80, v6, vm0, $0xb8;
	[tilespmem:$0x10580] =	vst v63  }
0xa6: {  	s30 =	rddreg [dreg:$0x18]  }
0xa7: {  	[tilespmem:s30], [sflag:$0x1] =	stream.indirect_vreg.gather [hbm4b:s1+s3], $0x80, v5, vm0, $0xb8;
	[tilespmem:$0x10580] =	vst v63  }
0xa8: {  	v5 =	vld [tilespmem:$0x80];
	_ =	sdelay $0x4  }
0xa9: {  	v6 =	vshll.u32 v5, $0x1  }
0xaa: {  	v5 =	vand.u32 $0x7, v5;
	v6 =	vand.u32 $0xFFFFFFF0, v6  }
0xab: {  	v5 =	vor.u32 v5, v6  }
0xac: {  	v6 =	vperm.xlane v5, v2;
	_ =	sdelay $0x1  }
0xad: {  	v5 =	vperm.xlane v5, v4;
	v6 =	vadd.s32 v3, v6;
	_ =	sdelay $0x1  }
0xae: {  	v5 =	vadd.s32 v3, v5;
	_ =	sdelay $0x2  }
0xaf: {  	[tilespmem:s7], [sflag:$0x1] =	stream.indirect_vreg.gather [hbm4b:s1+s3], $0x80, v6, vm0, $0xb8;
	[tilespmem:$0x10580] =	vst v63  }
0xb0: {  	_ = 	snop  }
0xb1: {  	[tilespmem:s8], [sflag:$0x1] =	stream.indirect_vreg.gather [hbm4b:s1+s3], $0x80, v5, vm0, $0xb8;
	[tilespmem:$0x10580] =	vst v63  }
0xb2: {  	v5 =	vld [tilespmem:$0x90];
	_ =	sdelay $0x4  }
0xb3: {  	v6 =	vshll.u32 v5, $0x1  }
0xb4: {  	v5 =	vand.u32 $0x7, v5;
	v6 =	vand.u32 $0xFFFFFFF0, v6  }
0xb5: {  	v5 =	vor.u32 v5, v6  }
0xb6: {  	v6 =	vperm.xlane v5, v2;
	_ =	sdelay $0x1  }
0xb7: {  	v5 =	vperm.xlane v5, v4;
	v6 =	vadd.s32 v3, v6;
	_ =	sdelay $0x1  }
0xb8: {  	v5 =	vadd.s32 v3, v5;
	_ =	sdelay $0x2  }
0xb9: {  	[tilespmem:s9], [sflag:$0x1] =	stream.indirect_vreg.gather [hbm4b:s1+s3], $0x80, v6, vm0, $0xb8;
	[tilespmem:$0x10580] =	vst v63  }
0xba: {  	_ = 	snop  }
0xbb: {  	[tilespmem:s10], [sflag:$0x1] =	stream.indirect_vreg.gather [hbm4b:s1+s3], $0x80, v5, vm0, $0xb8;
	[tilespmem:$0x10580] =	vst v63  }
0xbc: {  	v5 =	vld [tilespmem:$0xA0];
	_ =	sdelay $0x4  }
0xbd: {  	v6 =	vshll.u32 v5, $0x1  }
0xbe: {  	v5 =	vand.u32 $0x7, v5;
	v6 =	vand.u32 $0xFFFFFFF0, v6  }
0xbf: {  	v5 =	vor.u32 v5, v6  }
0xc0: {  	v6 =	vperm.xlane v5, v2;
	_ =	sdelay $0x1  }
0xc1: {  	v5 =	vperm.xlane v5, v4;
	v6 =	vadd.s32 v3, v6;
	_ =	sdelay $0x1  }
0xc2: {  	v5 =	vadd.s32 v3, v5;
	_ =	sdelay $0x2  }
0xc3: {  	[tilespmem:s11], [sflag:$0x1] =	stream.indirect_vreg.gather [hbm4b:s1+s3], $0x80, v6, vm0, $0xb8;
	[tilespmem:$0x10580] =	vst v63  }
0xc4: {  	_ = 	snop  }
0xc5: {  	[tilespmem:s12], [sflag:$0x1] =	stream.indirect_vreg.gather [hbm4b:s1+s3], $0x80, v5, vm0, $0xb8;
	[tilespmem:$0x10580] =	vst v63  }
0xc6: {  	v5 =	vld [tilespmem:$0xB0];
	_ =	sdelay $0x4  }
0xc7: {  	v6 =	vshll.u32 v5, $0x1  }
0xc8: {  	v5 =	vand.u32 $0x7, v5;
	v6 =	vand.u32 $0xFFFFFFF0, v6  }
0xc9: {  	v5 =	vor.u32 v5, v6  }
0xca: {  	v6 =	vperm.xlane v5, v2;
	_ =	sdelay $0x1  }
0xcb: {  	v5 =	vperm.xlane v5, v4;
	v6 =	vadd.s32 v3, v6;
	_ =	sdelay $0x1  }
0xcc: {  	v5 =	vadd.s32 v3, v5;
	_ =	sdelay $0x2  }
0xcd: {  	[tilespmem:s13], [sflag:$0x1] =	stream.indirect_vreg.gather [hbm4b:s1+s3], $0x80, v6, vm0, $0xb8;
	[tilespmem:$0x10580] =	vst v63  }
0xce: {  	_ = 	snop  }
0xcf: {  	[tilespmem:s14], [sflag:$0x1] =	stream.indirect_vreg.gather [hbm4b:s1+s3], $0x80, v5, vm0, $0xb8;
	[tilespmem:$0x10580] =	vst v63  }
0xd0: {  	v5 =	vld [tilespmem:$0xC0];
	_ =	sdelay $0x4  }
0xd1: {  	v6 =	vshll.u32 v5, $0x1  }
0xd2: {  	v5 =	vand.u32 $0x7, v5;
	v6 =	vand.u32 $0xFFFFFFF0, v6  }
0xd3: {  	v5 =	vor.u32 v5, v6  }
0xd4: {  	v6 =	vperm.xlane v5, v2;
	_ =	sdelay $0x1  }
0xd5: {  	v5 =	vperm.xlane v5, v4;
	v6 =	vadd.s32 v3, v6;
	_ =	sdelay $0x1  }
0xd6: {  	v5 =	vadd.s32 v3, v5;
	_ =	sdelay $0x2  }
0xd7: {  	[tilespmem:s15], [sflag:$0x1] =	stream.indirect_vreg.gather [hbm4b:s1+s3], $0x80, v6, vm0, $0xb8;
	[tilespmem:$0x10580] =	vst v63  }
0xd8: {  	_ = 	snop  }
0xd9: {  	[tilespmem:s16], [sflag:$0x1] =	stream.indirect_vreg.gather [hbm4b:s1+s3], $0x80, v5, vm0, $0xb8;
	[tilespmem:$0x10580] =	vst v63  }
0xda: {  	v5 =	vld [tilespmem:$0xD0];
	_ =	sdelay $0x4  }
0xdb: {  	v6 =	vshll.u32 v5, $0x1  }
0xdc: {  	v5 =	vand.u32 $0x7, v5;
	v6 =	vand.u32 $0xFFFFFFF0, v6  }
0xdd: {  	v5 =	vor.u32 v5, v6  }
0xde: {  	v6 =	vperm.xlane v5, v2;
	_ =	sdelay $0x1  }
0xdf: {  	v5 =	vperm.xlane v5, v4;
	v6 =	vadd.s32 v3, v6;
	_ =	sdelay $0x1  }
0xe0: {  	v5 =	vadd.s32 v3, v5;
	_ =	sdelay $0x2  }
0xe1: {  	[tilespmem:s17], [sflag:$0x1] =	stream.indirect_vreg.gather [hbm4b:s1+s3], $0x80, v6, vm0, $0xb8;
	[tilespmem:$0x10580] =	vst v63  }
0xe2: {  	_ = 	snop  }
0xe3: {  	[tilespmem:s18], [sflag:$0x1] =	stream.indirect_vreg.gather [hbm4b:s1+s3], $0x80, v5, vm0, $0xb8;
	[tilespmem:$0x10580] =	vst v63  }
0xe4: {  	v5 =	vld [tilespmem:$0xE0];
	_ =	sdelay $0x4  }
0xe5: {  	v6 =	vshll.u32 v5, $0x1  }
0xe6: {  	v5 =	vand.u32 $0x7, v5;
	v6 =	vand.u32 $0xFFFFFFF0, v6  }
0xe7: {  	v5 =	vor.u32 v5, v6  }
0xe8: {  	v6 =	vperm.xlane v5, v2;
	_ =	sdelay $0x1  }
0xe9: {  	v5 =	vperm.xlane v5, v4;
	v6 =	vadd.s32 v3, v6;
	_ =	sdelay $0x1  }
0xea: {  	v5 =	vadd.s32 v3, v5;
	_ =	sdelay $0x2  }
0xeb: {  	[tilespmem:s19], [sflag:$0x1] =	stream.indirect_vreg.gather [hbm4b:s1+s3], $0x80, v6, vm0, $0xb8;
	[tilespmem:$0x10580] =	vst v63  }
0xec: {  	_ = 	snop  }
0xed: {  	[tilespmem:s20], [sflag:$0x1] =	stream.indirect_vreg.gather [hbm4b:s1+s3], $0x80, v5, vm0, $0xb8;
	[tilespmem:$0x10580] =	vst v63  }
0xee: {  	v5 =	vld [tilespmem:$0xF0];
	_ =	sdelay $0x4  }
0xef: {  	v6 =	vshll.u32 v5, $0x1  }
0xf0: {  	v5 =	vand.u32 $0x7, v5;
	v6 =	vand.u32 $0xFFFFFFF0, v6  }
0xf1: {  	v5 =	vor.u32 v5, v6  }
0xf2: {  	v6 =	vperm.xlane v5, v2;
	_ =	sdelay $0x1  }
0xf3: {  	v5 =	vperm.xlane v5, v4;
	v6 =	vadd.s32 v3, v6;
	_ =	sdelay $0x1  }
0xf4: {  	v5 =	vadd.s32 v3, v5;
	_ =	sdelay $0x2  }
0xf5: {  	[tilespmem:s21], [sflag:$0x1] =	stream.indirect_vreg.gather [hbm4b:s1+s3], $0x80, v6, vm0, $0xb8;
	[tilespmem:$0x10580] =	vst v63  }
0xf6: {  	_ = 	snop  }
0xf7: {  	[tilespmem:s22], [sflag:$0x1] =	stream.indirect_vreg.gather [hbm4b:s1+s3], $0x80, v5, vm0, $0xb8;
	[tilespmem:$0x10580] =	vst v63  }
0xf8: {  	_ =	swait.ge [sflag:s23], $0x8000  }
0xf9: {  	[sflag:s23] =	ssyncset.done $0x0  }
0xfa: {  	[sflag:s23] =	ssyncadd.s32 $0xFFFF8000  }
0xfb: {  	_ =	swait.ge [sflag:s23], $0x8000  }
0xfc: {  	[sflag:s23] =	ssyncset.done $0x0  }
0xfd: {  	s31 =	rddreg [dreg:$0x7];
	[sflag:s23] =	ssyncadd.s32 $0xFFFF8000  }
0xfe: {  	[hbm4b:s31+s3] =	stream.linear.scatter [tilespmem:s6], [sflag:$0x2], $0x10000, $0x38;
	[tilespmem:$0x10580] =	vst v63  }
0xff: {  	_ =	swait.ge [sflag:s5], $0x10000  }
0x100: {  	[sflag:s5] =	ssyncset.done $0x0  }
0x101: {  	[sflag:s5] =	ssyncadd.s32 $0xFFFF0000  }
0x102: {  	[bflag:$0x0] =	sbarrier.arrive $0xFFFF  }
0x103: {  	[spmem:s2] =	stream.indirect.scatter.add.f32 [tilespmem:s25], [sflag:$0x2], $0x1, s3, s24, $0xb8;
	[tilespmem:$0x10580] =	vst v63  }
0x104: {  	_ =	swait.ge [sflag:s5], $0x80  }
0x105: {  	[sflag:s5] =	ssyncset.done $0x0  }
0x106: {  	[sflag:s5] =	ssyncadd.s32 $0xFFFFFF80  }
0x107: {  	[spmem:s2] =	stream.indirect.scatter.add.f32 [tilespmem:s25], [sflag:$0x2], $0x1, s24, s24, $0xb8;
	[tilespmem:$0x10580] =	vst v63  }
0x108: {  	_ =	swait.ge [sflag:s5], $0x80  }
0x109: {  	s4 =	sadd.s32 $0xFFFFFFFF, s4;
	[sflag:s5] =	ssyncset.done $0x0  }
0x10a: {  	p1 =	sne.s32 s4, $0x0;
	s28 =	sshrl.u32 @!p0 s2, $0x3;
	[sflag:s5] =	ssyncadd.s32 $0xFFFFFF80  }
0x10b: {  	s0 =	simm.s32 @!p0 $0x1C02;
	s29 =	simm.s32 @!p0 $0x1;
	[bflag:$0x0] =	sbarrier.arrive $0xFFFF  }
0x10c: {  	s30 =	simm.s32 @!p0 $0x20;
	s31 =	simm.s32 @!p0 $0x10;
	s26 =	rddreg [dreg:$0x8]  }
0x10d: {  	[hbm:s26@s30], [sflag:s0] =	dma.strided @!p0 [spmem:s28@s31], $0x400, s29, $0x10   }
.Ltmp0:
0x10e: {  	_ = 	snop;
	(pc) =	sbr.rel @p1 .LBB2_1-.Ltmp0, $4  }
0x10f: {  	s0 =	simm.s32 @!p0 $0x2  }
0x110: {  	_ =	swait.ge @!p0 [sflag:s0], $0x400  }
0x111: {  	[sflag:s0] =	ssyncset.done @!p0 $0x0  }
0x112: {  	[sflag:s0] =	ssyncadd.s32 @!p0 $0xFFFFFC00  }
0x113: {  	_ =	sfence.sel $0x180000  }
0x114: {  	[bflag:$0x0] =	sbarrier.arrive $0xFFFF  }
0x115: {  	_ =	strace $0x90000047  }
0x116: {  	[bflag:$0x2] =	sbarrier.arrive $0xFFFF  }
0x117: {  	s0 =	rddreg [dreg:$0x4]  }
0x118: {  	s0 =	sadd.s32 @!p0 $0x100000, s0  }
0x119: {  	[sflag:s0] =	ssyncadd.tile.s32 @!p0 $0x1;
	_ =	shalt  }
.Lfunc_end2:
_tile_overlayer_lowered:
.L_overlay_start_2:
0x11a: {  	(tag) =	ssettag $0x2  }
0x11b: {  	s0 =	rddreg [dreg:$0x0];
	s2 =	stileid.u32  }
0x11c: {  	s1 =	rddreg [dreg:$0x1];
	p0 =	sne.s32 s2, $0x0  }
0x11d: {  	s3 =	rddreg [dreg:$0x2];
	[bflag:$0x3] =	sbarrier.arrive $0xFFFF;
	s2 =	simm.s32 @!p0 $0x1C02  }
0x11e: {  	[timem:s3], [sflag:s2] =	dma.local @!p0 [hbm:s0], s1  }
0x11f: {  	s0 =	simm.s32 @!p0 $0x2  }
0x120: {  	_ =	swait.ge @!p0 [sflag:s0], s1  }
0x121: {  	s1 =	ssub.s32 @!p0 $0x0, s1;
	[sflag:s0] =	ssyncset.done @!p0 $0x0  }
0x122: {  	[sflag:s0] =	ssyncadd.s32 @!p0 s1  }
0x123: {  	[bflag:$0x3] =	sbarrier.arrive $0xFFFF  }
0x124: {  	_ =	shalt  }

</sc_bundles>
